<compile_context>
chip_gen: v7x
topology: tpu7x:2x2x1
jax: 0.10.2.dev20260603
libtpu: 0.0.44.dev20260713+nightly
codegen_flags: <defaults>
</compile_context>

<pallas_src>
import functools

import jax
import jax.numpy as jnp
from jax import lax
from jax.experimental import pallas as pl
from jax.experimental.pallas import tpu as pltpu
from jax.experimental.pallas import tpu_sc as plsc

VOCAB_N = 1_000_000
D = 64
BATCH_N = 16384
HIST_N = 200
B_TOTAL = BATCH_N * HIST_N

NW = 32
PER_W = B_TOTAL // NW
SUB = 128
NSUB = PER_W // SUB
LANES = 16
NCREG = D // LANES
NRING = 6

_MEAN_BLK = 8000
_MEAN_GRID = VOCAB_N // _MEAN_BLK


def _mean_body(t_ref, pad_ref, c_ref):
    i = pl.program_id(0)
    t = t_ref[...]
    pad_ref[...] = jnp.concatenate([t, jnp.zeros_like(t)], axis=1)

    @pl.when(i == 0)
    def _():
        c_ref[...] = jnp.zeros_like(c_ref)

    s = jnp.sum(t, axis=0, keepdims=True)
    c_ref[...] += jnp.broadcast_to(jnp.concatenate([s, s], axis=1), (8, 2 * D))

    @pl.when(i == _MEAN_GRID - 1)
    def _():
        c_ref[...] = c_ref[...] * (1.0 / VOCAB_N)


def _tc_mean(table):
    return pl.pallas_call(
        _mean_body,
        grid=(_MEAN_GRID,),
        in_specs=[pl.BlockSpec((_MEAN_BLK, D), lambda i: (i, 0))],
        out_specs=[
            pl.BlockSpec((_MEAN_BLK, 2 * D), lambda i: (i, 0)),
            pl.BlockSpec((8, 2 * D), lambda i: (0, 0)),
        ],
        out_shape=[
            jax.ShapeDtypeStruct((VOCAB_N, 2 * D), jnp.float32),
            jax.ShapeDtypeStruct((8, 2 * D), jnp.float32),
        ],
    )(table)


_mesh = plsc.VectorSubcoreMesh(core_axis_name="c", subcore_axis_name="s")


@functools.partial(
    pl.kernel,
    mesh=_mesh,
    compiler_params=pltpu.CompilerParams(
        use_tc_tiling_on_sc=False, needs_layout_passes=False),
    out_type=jax.ShapeDtypeStruct((B_TOTAL, 2 * D), jnp.float32),
    scratch_types=[
        pltpu.VMEM((NRING, 1, SUB), jnp.int32),
        pltpu.VMEM((NRING, SUB, 2 * D), jnp.float32),
        pltpu.VMEM((8, 2 * D), jnp.float32),
        pltpu.SemaphoreType.DMA,
        pltpu.SemaphoreType.DMA,
        pltpu.SemaphoreType.DMA,
    ],
)
def _sc_gather_sub(x_hbm, table_hbm, center_hbm, out_hbm,
                   idx_v, rows_v, center_v,
                   sem_i, sem_g, sem_s):
    wid = lax.axis_index("s") * 2 + lax.axis_index("c")
    xbase = wid * NSUB
    obase = wid * PER_W

    pltpu.sync_copy(center_hbm, center_v)
    cregs = [center_v[0, pl.ds(LANES * c, LANES)] for c in range(NCREG)]

    def fire_idx(slot, s):
        pltpu.async_copy(x_hbm.at[pl.ds(xbase + s, 1)], idx_v.at[slot], sem_i)

    def wait_idx(slot):
        pltpu.make_async_copy(
            x_hbm.at[pl.ds(0, 1)], idx_v.at[slot], sem_i).wait()

    def fire_gather(slot):
        pltpu.async_copy(
            table_hbm.at[idx_v.at[slot, 0]], rows_v.at[slot], sem_g)

    def wait_gather(slot):
        pltpu.make_async_copy(
            table_hbm.at[idx_v.at[slot, 0]], rows_v.at[slot], sem_g).wait()

    def fire_scatter(slot, s):
        pltpu.async_copy(
            rows_v.at[slot, :, pl.ds(0, D)],
            out_hbm.at[pl.ds(obase + s * SUB, SUB), pl.ds(0, D)],
            sem_s)

    def wait_scatter(slot):
        pltpu.make_async_copy(
            rows_v.at[slot, :, pl.ds(0, D)],
            out_hbm.at[pl.ds(0, SUB), pl.ds(0, D)],
            sem_s).wait()

    def process(slot):
        def row(j, carry):
            for c in range(NCREG):
                sl = pl.ds(LANES * c, LANES)
                rows_v[slot, j, sl] = rows_v[slot, j, sl] - cregs[c]
            return carry

        lax.fori_loop(0, SUB, row, 0, unroll=4)

    for v in range(4):
        fire_idx(v, v)
        wait_idx(v)
        fire_gather(v)
    fire_idx(4, 4)
    fire_idx(5, 5)

    def body(u, carry):
        slot = lax.rem(u, NRING)

        @pl.when(u >= 2)
        def _():
            wait_scatter(lax.rem(u + 4, NRING))

        @pl.when(u + 4 < NSUB)
        def _():
            s4 = lax.rem(u + 4, NRING)
            wait_idx(s4)
            fire_gather(s4)

        wait_gather(slot)

        @pl.when(u + 6 < NSUB)
        def _():
            fire_idx(slot, u + 6)

        process(slot)
        fire_scatter(slot, u)
        return carry

    lax.fori_loop(0, NSUB, body, 0)
    wait_scatter(lax.rem(NSUB - 2, NRING))
    wait_scatter(lax.rem(NSUB - 1, NRING))


def kernel(x, table):
    table_pad, center = _tc_mean(table)
    x2 = x.reshape(-1).astype(jnp.int32).reshape(B_TOTAL // SUB, SUB)
    out2d = _sc_gather_sub(x2, table_pad, center)
    return out2d.reshape(BATCH_N, HIST_N, 2 * D)[:, :, :D]

# --- scband reference (transcript-rebuilt; emitter-appended) ---
"""Pipeline reference for scband-topical-embedding-18906446037559 (READ-ONLY COPY).

The authoritative reference and input builder live on the scoring server;
editing this copy changes nothing except your own understanding.
"""

import jax, jax.numpy as jnp
import numpy as np

VOCAB = 1000000
D_EMBED = 64
BATCH = 16384
HIST = 200

def setup_inputs(seed: int = 0) -> dict:
    key = jax.random.key(seed)
    k_idx, k_tab = jax.random.split(key)
    x = jax.random.randint(k_idx, (BATCH, HIST), 0, VOCAB, dtype=jnp.int64)
    table = jax.random.normal(k_tab, (VOCAB, D_EMBED), dtype=jnp.float32) * 0.02
    return {"x": x, "table": table}

def reference(x, table):
    # TopicalEmbedding.forward with center_embeddings=True:
    # embedding(x) - embedding.weight.mean(dim=0, keepdim=True)
    emb = jnp.take(table, x, axis=0)
    center = jnp.mean(table, axis=0, keepdims=True)
    return emb - center

if __name__ == "__main__":
    import jax
    _d = setup_inputs()
    print(jax.jit(kernel)(*tuple(_d.values())))

</pallas_src>

<mosaic_0001>
#map = affine_map<(d0, d1) -> (0, 0)>
module attributes {stable_mosaic.version = 14 : i64} {
  func.func @_sc_gather_sub(%arg0: i32, %arg1: i32, %arg2: memref<25600x128xi32, #tpu.memory_space<hbm>>, %arg3: memref<1000000x128xf32, #tpu.memory_space<hbm>>, %arg4: memref<8x128xf32, #tpu.memory_space<hbm>>, %arg5: memref<3276800x128xf32, #tpu.memory_space<hbm>>, %arg6: memref<6x1x128xi32, #tpu.memory_space<vmem>>, %arg7: memref<6x128x128xf32, #tpu.memory_space<vmem>>, %arg8: memref<8x128xf32, #tpu.memory_space<vmem>>, %arg9: memref<!tpu.dma_semaphore, #tpu.memory_space<semaphore_mem>>, %arg10: memref<!tpu.dma_semaphore, #tpu.memory_space<semaphore_mem>>, %arg11: memref<!tpu.dma_semaphore, #tpu.memory_space<semaphore_mem>>) attributes {dimension_semantics = [#tpu.dimension_semantics<core_parallel>, #tpu.dimension_semantics<subcore_parallel>], iteration_bounds = array<i64: 2, 16>, scalar_prefetch = 0 : i64, scratch_operands = 6 : i64, tpu.core_type = #tpu.core_type<sc_vector_subcore>, window_params = [{transform_indices = #map}, {transform_indices = #map}, {transform_indices = #map}, {transform_indices = #map}]} {
    %mul3A = arith.constant 2 : i32
    %mul3A_0 = arith.muli %arg1, %mul3A : i32
    %add3A = arith.addi %mul3A_0, %arg0 : i32
    %mul3A_1 = arith.constant 800 : i32
    %mul3A_2 = arith.muli %add3A, %mul3A_1 : i32
    %mul3A_3 = arith.constant 102400 : i32
    %mul3A_4 = arith.muli %add3A, %mul3A_3 : i32
    "tpu.region"() ({
      %run_scoped3A = tpu.sem_alloc : memref<!tpu.dma_semaphore, #tpu.memory_space<semaphore_mem>>
      tpu.enqueue_dma source(%arg4 : memref<8x128xf32, #tpu.memory_space<hbm>>) target(%arg8 : memref<8x128xf32, #tpu.memory_space<vmem>>) target_semaphore(%run_scoped3A : memref<!tpu.dma_semaphore, #tpu.memory_space<semaphore_mem>>)
      tpu.wait_dma2 semaphore(%run_scoped3A : memref<!tpu.dma_semaphore, #tpu.memory_space<semaphore_mem>>) src(%arg4 : memref<8x128xf32, #tpu.memory_space<hbm>>) dst(%arg8 : memref<8x128xf32, #tpu.memory_space<vmem>>)
      tpu.yield
    }) : () -> ()
    %get3A = arith.constant 0 : i32
    %get3A_5 = arith.index_cast %get3A : i32 to index
    %get3A_6 = arith.constant 0 : index
    %get3A_7 = tpu.vector_load %arg8[%get3A_5, %get3A_6] {strides = array<i32>} : memref<8x128xf32, #tpu.memory_space<vmem>>, vector<16xf32>,
    %get3A_8 = arith.constant 0 : i32
    %get3A_9 = arith.index_cast %get3A_8 : i32 to index
    %get3A_10 = arith.constant 16 : index
    %get3A_11 = tpu.vector_load %arg8[%get3A_9, %get3A_10] {strides = array<i32>} : memref<8x128xf32, #tpu.memory_space<vmem>>, vector<16xf32>,
    %get3A_12 = arith.constant 0 : i32
    %get3A_13 = arith.index_cast %get3A_12 : i32 to index
    %get3A_14 = arith.constant 32 : index
    %get3A_15 = tpu.vector_load %arg8[%get3A_13, %get3A_14] {strides = array<i32>} : memref<8x128xf32, #tpu.memory_space<vmem>>, vector<16xf32>,
    %get3A_16 = arith.constant 0 : i32
    %get3A_17 = arith.index_cast %get3A_16 : i32 to index
    %get3A_18 = arith.constant 48 : index
    %get3A_19 = tpu.vector_load %arg8[%get3A_17, %get3A_18] {strides = array<i32>} : memref<8x128xf32, #tpu.memory_space<vmem>>, vector<16xf32>,
    %add3A_20 = arith.constant 0 : i32
    %add3A_21 = arith.addi %mul3A_2, %add3A_20 : i32
    %dma_start3A = arith.constant 0 : i32
    %dma_start3A_22 = arith.constant 0 : i32
    %dma_start3A_23 = arith.constant 0 : i32
    %dma_start3A_24 = tpu.memref_slice %arg6[%dma_start3A, %dma_start3A_22, %dma_start3A_23] : memref<6x1x128xi32, #tpu.memory_space<vmem>> -> memref<1x1x128xi32, #tpu.memory_space<vmem>>
    %dma_start3A_25 = tpu.memref_squeeze %dma_start3A_24 : memref<1x1x128xi32, #tpu.memory_space<vmem>> -> memref<1x128xi32, #tpu.memory_space<vmem>>
    %dma_start3A_26 = arith.constant 0 : i32
    %dma_start3A_27 = tpu.memref_slice %arg2[%add3A_21, %dma_start3A_26] : memref<25600x128xi32, #tpu.memory_space<hbm>> -> memref<1x128xi32, #tpu.memory_space<hbm>>
    %dma_start3A_28 = arith.constant 0 : i32
    %dma_start3A_29 = arith.constant 0 : i32
    %dma_start3A_30 = tpu.memref_slice %arg6[%dma_start3A, %dma_start3A_28, %dma_start3A_29] : memref<6x1x128xi32, #tpu.memory_space<vmem>> -> memref<1x1x128xi32, #tpu.memory_space<vmem>>
    %dma_start3A_31 = tpu.memref_squeeze %dma_start3A_30 : memref<1x1x128xi32, #tpu.memory_space<vmem>> -> memref<1x128xi32, #tpu.memory_space<vmem>>
    %dma_start3A_32 = arith.constant 0 : i32
    %dma_start3A_33 = tpu.memref_slice %arg2[%add3A_21, %dma_start3A_32] : memref<25600x128xi32, #tpu.memory_space<hbm>> -> memref<1x128xi32, #tpu.memory_space<hbm>>
    tpu.enqueue_dma source(%dma_start3A_33 : memref<1x128xi32, #tpu.memory_space<hbm>>) target(%dma_start3A_31 : memref<1x128xi32, #tpu.memory_space<vmem>>) target_semaphore(%arg9 : memref<!tpu.dma_semaphore, #tpu.memory_space<semaphore_mem>>)
    %dma_wait3A = arith.constant 0 : i32
    %dma_wait3A_34 = arith.constant 0 : i32
    %dma_wait3A_35 = arith.constant 0 : i32
    %dma_wait3A_36 = tpu.memref_slice %arg6[%dma_wait3A, %dma_wait3A_34, %dma_wait3A_35] : memref<6x1x128xi32, #tpu.memory_space<vmem>> -> memref<1x1x128xi32, #tpu.memory_space<vmem>>
    %dma_wait3A_37 = tpu.memref_squeeze %dma_wait3A_36 : memref<1x1x128xi32, #tpu.memory_space<vmem>> -> memref<1x128xi32, #tpu.memory_space<vmem>>
    %dma_wait3A_38 = arith.constant 0 : i32
    %dma_wait3A_39 = arith.constant 0 : i32
    %dma_wait3A_40 = tpu.memref_slice %arg2[%dma_wait3A_38, %dma_wait3A_39] : memref<25600x128xi32, #tpu.memory_space<hbm>> -> memref<1x128xi32, #tpu.memory_space<hbm>>
    %dma_wait3A_41 = arith.constant 0 : i32
    %dma_wait3A_42 = arith.constant 0 : i32
    %dma_wait3A_43 = tpu.memref_slice %arg6[%dma_wait3A, %dma_wait3A_41, %dma_wait3A_42] : memref<6x1x128xi32, #tpu.memory_space<vmem>> -> memref<1x1x128xi32, #tpu.memory_space<vmem>>
    %dma_wait3A_44 = tpu.memref_squeeze %dma_wait3A_43 : memref<1x1x128xi32, #tpu.memory_space<vmem>> -> memref<1x128xi32, #tpu.memory_space<vmem>>
    %dma_wait3A_45 = arith.constant 0 : i32
    %dma_wait3A_46 = arith.constant 0 : i32
    %dma_wait3A_47 = tpu.memref_slice %arg2[%dma_wait3A_45, %dma_wait3A_46] : memref<25600x128xi32, #tpu.memory_space<hbm>> -> memref<1x128xi32, #tpu.memory_space<hbm>>
    tpu.wait_dma2 semaphore(%arg9 : memref<!tpu.dma_semaphore, #tpu.memory_space<semaphore_mem>>) src(%dma_wait3A_47 : memref<1x128xi32, #tpu.memory_space<hbm>>) dst(%dma_wait3A_44 : memref<1x128xi32, #tpu.memory_space<vmem>>)
    %dma_start3A_48 = arith.constant 0 : i32
    %dma_start3A_49 = arith.constant 0 : i32
    %dma_start3A_50 = arith.constant 0 : i32
    %dma_start3A_51 = arith.constant 0 : i32
    %dma_start3A_52 = arith.constant 0 : i32
    %dma_start3A_53 = tpu.memref_slice %arg7[%dma_start3A_50, %dma_start3A_51, %dma_start3A_52] : memref<6x128x128xf32, #tpu.memory_space<vmem>> -> memref<1x128x128xf32, #tpu.memory_space<vmem>>
    %dma_start3A_54 = tpu.memref_squeeze %dma_start3A_53 : memref<1x128x128xf32, #tpu.memory_space<vmem>> -> memref<128x128xf32, #tpu.memory_space<vmem>>
    %dma_start3A_55 = arith.constant 0 : i32
    %dma_start3A_56 = tpu.memref_slice %arg6[%dma_start3A_48, %dma_start3A_49, %dma_start3A_55] : memref<6x1x128xi32, #tpu.memory_space<vmem>> -> memref<1x1x128xi32, #tpu.memory_space<vmem>>
    %dma_start3A_57 = tpu.memref_squeeze %dma_start3A_56 : memref<1x1x128xi32, #tpu.memory_space<vmem>> -> memref<128xi32, #tpu.memory_space<vmem>>
    %dma_start3A_58 = arith.constant 0 : i32
    %dma_start3A_59 = arith.constant 0 : i32
    %dma_start3A_60 = tpu.memref_slice %arg3[%dma_start3A_58, %dma_start3A_59] : memref<1000000x128xf32, #tpu.memory_space<hbm>> -> memref<1000000x128xf32, #tpu.memory_space<hbm>>
    tpu.enqueue_indirect_dma source(%dma_start3A_60 : memref<1000000x128xf32, #tpu.memory_space<hbm>>) target(%dma_start3A_54 : memref<128x128xf32, #tpu.memory_space<vmem>>) offsets(%dma_start3A_57 : memref<128xi32, #tpu.memory_space<vmem>>) semaphore(%arg10 : memref<!tpu.dma_semaphore, #tpu.memory_space<semaphore_mem>>)
    %add3A_61 = arith.constant 1 : i32
    %add3A_62 = arith.addi %mul3A_2, %add3A_61 : i32
    %dma_start3A_63 = arith.constant 1 : i32
    %dma_start3A_64 = arith.constant 0 : i32
    %dma_start3A_65 = arith.constant 0 : i32
    %dma_start3A_66 = tpu.memref_slice %arg6[%dma_start3A_63, %dma_start3A_64, %dma_start3A_65] : memref<6x1x128xi32, #tpu.memory_space<vmem>> -> memref<1x1x128xi32, #tpu.memory_space<vmem>>
    %dma_start3A_67 = tpu.memref_squeeze %dma_start3A_66 : memref<1x1x128xi32, #tpu.memory_space<vmem>> -> memref<1x128xi32, #tpu.memory_space<vmem>>
    %dma_start3A_68 = arith.constant 0 : i32
    %dma_start3A_69 = tpu.memref_slice %arg2[%add3A_62, %dma_start3A_68] : memref<25600x128xi32, #tpu.memory_space<hbm>> -> memref<1x128xi32, #tpu.memory_space<hbm>>
    %dma_start3A_70 = arith.constant 0 : i32
    %dma_start3A_71 = arith.constant 0 : i32
    %dma_start3A_72 = tpu.memref_slice %arg6[%dma_start3A_63, %dma_start3A_70, %dma_start3A_71] : memref<6x1x128xi32, #tpu.memory_space<vmem>> -> memref<1x1x128xi32, #tpu.memory_space<vmem>>
    %dma_start3A_73 = tpu.memref_squeeze %dma_start3A_72 : memref<1x1x128xi32, #tpu.memory_space<vmem>> -> memref<1x128xi32, #tpu.memory_space<vmem>>
    %dma_start3A_74 = arith.constant 0 : i32
    %dma_start3A_75 = tpu.memref_slice %arg2[%add3A_62, %dma_start3A_74] : memref<25600x128xi32, #tpu.memory_space<hbm>> -> memref<1x128xi32, #tpu.memory_space<hbm>>
    tpu.enqueue_dma source(%dma_start3A_75 : memref<1x128xi32, #tpu.memory_space<hbm>>) target(%dma_start3A_73 : memref<1x128xi32, #tpu.memory_space<vmem>>) target_semaphore(%arg9 : memref<!tpu.dma_semaphore, #tpu.memory_space<semaphore_mem>>)
    %dma_wait3A_76 = arith.constant 1 : i32
    %dma_wait3A_77 = arith.constant 0 : i32
    %dma_wait3A_78 = arith.constant 0 : i32
    %dma_wait3A_79 = tpu.memref_slice %arg6[%dma_wait3A_76, %dma_wait3A_77, %dma_wait3A_78] : memref<6x1x128xi32, #tpu.memory_space<vmem>> -> memref<1x1x128xi32, #tpu.memory_space<vmem>>
    %dma_wait3A_80 = tpu.memref_squeeze %dma_wait3A_79 : memref<1x1x128xi32, #tpu.memory_space<vmem>> -> memref<1x128xi32, #tpu.memory_space<vmem>>
    %dma_wait3A_81 = arith.constant 0 : i32
    %dma_wait3A_82 = arith.constant 0 : i32
    %dma_wait3A_83 = tpu.memref_slice %arg2[%dma_wait3A_81, %dma_wait3A_82] : memref<25600x128xi32, #tpu.memory_space<hbm>> -> memref<1x128xi32, #tpu.memory_space<hbm>>
    %dma_wait3A_84 = arith.constant 0 : i32
    %dma_wait3A_85 = arith.constant 0 : i32
    %dma_wait3A_86 = tpu.memref_slice %arg6[%dma_wait3A_76, %dma_wait3A_84, %dma_wait3A_85] : memref<6x1x128xi32, #tpu.memory_space<vmem>> -> memref<1x1x128xi32, #tpu.memory_space<vmem>>
    %dma_wait3A_87 = tpu.memref_squeeze %dma_wait3A_86 : memref<1x1x128xi32, #tpu.memory_space<vmem>> -> memref<1x128xi32, #tpu.memory_space<vmem>>
    %dma_wait3A_88 = arith.constant 0 : i32
    %dma_wait3A_89 = arith.constant 0 : i32
    %dma_wait3A_90 = tpu.memref_slice %arg2[%dma_wait3A_88, %dma_wait3A_89] : memref<25600x128xi32, #tpu.memory_space<hbm>> -> memref<1x128xi32, #tpu.memory_space<hbm>>
    tpu.wait_dma2 semaphore(%arg9 : memref<!tpu.dma_semaphore, #tpu.memory_space<semaphore_mem>>) src(%dma_wait3A_90 : memref<1x128xi32, #tpu.memory_space<hbm>>) dst(%dma_wait3A_87 : memref<1x128xi32, #tpu.memory_space<vmem>>)
    %dma_start3A_91 = arith.constant 1 : i32
    %dma_start3A_92 = arith.constant 0 : i32
    %dma_start3A_93 = arith.constant 1 : i32
    %dma_start3A_94 = arith.constant 0 : i32
    %dma_start3A_95 = arith.constant 0 : i32
    %dma_start3A_96 = tpu.memref_slice %arg7[%dma_start3A_93, %dma_start3A_94, %dma_start3A_95] : memref<6x128x128xf32, #tpu.memory_space<vmem>> -> memref<1x128x128xf32, #tpu.memory_space<vmem>>
    %dma_start3A_97 = tpu.memref_squeeze %dma_start3A_96 : memref<1x128x128xf32, #tpu.memory_space<vmem>> -> memref<128x128xf32, #tpu.memory_space<vmem>>
    %dma_start3A_98 = arith.constant 0 : i32
    %dma_start3A_99 = tpu.memref_slice %arg6[%dma_start3A_91, %dma_start3A_92, %dma_start3A_98] : memref<6x1x128xi32, #tpu.memory_space<vmem>> -> memref<1x1x128xi32, #tpu.memory_space<vmem>>
    %dma_start3A_100 = tpu.memref_squeeze %dma_start3A_99 : memref<1x1x128xi32, #tpu.memory_space<vmem>> -> memref<128xi32, #tpu.memory_space<vmem>>
    %dma_start3A_101 = arith.constant 0 : i32
    %dma_start3A_102 = arith.constant 0 : i32
    %dma_start3A_103 = tpu.memref_slice %arg3[%dma_start3A_101, %dma_start3A_102] : memref<1000000x128xf32, #tpu.memory_space<hbm>> -> memref<1000000x128xf32, #tpu.memory_space<hbm>>
    tpu.enqueue_indirect_dma source(%dma_start3A_103 : memref<1000000x128xf32, #tpu.memory_space<hbm>>) target(%dma_start3A_97 : memref<128x128xf32, #tpu.memory_space<vmem>>) offsets(%dma_start3A_100 : memref<128xi32, #tpu.memory_space<vmem>>) semaphore(%arg10 : memref<!tpu.dma_semaphore, #tpu.memory_space<semaphore_mem>>)
    %add3A_104 = arith.constant 2 : i32
    %add3A_105 = arith.addi %mul3A_2, %add3A_104 : i32
    %dma_start3A_106 = arith.constant 2 : i32
    %dma_start3A_107 = arith.constant 0 : i32
    %dma_start3A_108 = arith.constant 0 : i32
    %dma_start3A_109 = tpu.memref_slice %arg6[%dma_start3A_106, %dma_start3A_107, %dma_start3A_108] : memref<6x1x128xi32, #tpu.memory_space<vmem>> -> memref<1x1x128xi32, #tpu.memory_space<vmem>>
    %dma_start3A_110 = tpu.memref_squeeze %dma_start3A_109 : memref<1x1x128xi32, #tpu.memory_space<vmem>> -> memref<1x128xi32, #tpu.memory_space<vmem>>
    %dma_start3A_111 = arith.constant 0 : i32
    %dma_start3A_112 = tpu.memref_slice %arg2[%add3A_105, %dma_start3A_111] : memref<25600x128xi32, #tpu.memory_space<hbm>> -> memref<1x128xi32, #tpu.memory_space<hbm>>
    %dma_start3A_113 = arith.constant 0 : i32
    %dma_start3A_114 = arith.constant 0 : i32
    %dma_start3A_115 = tpu.memref_slice %arg6[%dma_start3A_106, %dma_start3A_113, %dma_start3A_114] : memref<6x1x128xi32, #tpu.memory_space<vmem>> -> memref<1x1x128xi32, #tpu.memory_space<vmem>>
    %dma_start3A_116 = tpu.memref_squeeze %dma_start3A_115 : memref<1x1x128xi32, #tpu.memory_space<vmem>> -> memref<1x128xi32, #tpu.memory_space<vmem>>
    %dma_start3A_117 = arith.constant 0 : i32
    %dma_start3A_118 = tpu.memref_slice %arg2[%add3A_105, %dma_start3A_117] : memref<25600x128xi32, #tpu.memory_space<hbm>> -> memref<1x128xi32, #tpu.memory_space<hbm>>
    tpu.enqueue_dma source(%dma_start3A_118 : memref<1x128xi32, #tpu.memory_space<hbm>>) target(%dma_start3A_116 : memref<1x128xi32, #tpu.memory_space<vmem>>) target_semaphore(%arg9 : memref<!tpu.dma_semaphore, #tpu.memory_space<semaphore_mem>>)
    %dma_wait3A_119 = arith.constant 2 : i32
    %dma_wait3A_120 = arith.constant 0 : i32
    %dma_wait3A_121 = arith.constant 0 : i32
    %dma_wait3A_122 = tpu.memref_slice %arg6[%dma_wait3A_119, %dma_wait3A_120, %dma_wait3A_121] : memref<6x1x128xi32, #tpu.memory_space<vmem>> -> memref<1x1x128xi32, #tpu.memory_space<vmem>>
    %dma_wait3A_123 = tpu.memref_squeeze %dma_wait3A_122 : memref<1x1x128xi32, #tpu.memory_space<vmem>> -> memref<1x128xi32, #tpu.memory_space<vmem>>
    %dma_wait3A_124 = arith.constant 0 : i32
    %dma_wait3A_125 = arith.constant 0 : i32
    %dma_wait3A_126 = tpu.memref_slice %arg2[%dma_wait3A_124, %dma_wait3A_125] : memref<25600x128xi32, #tpu.memory_space<hbm>> -> memref<1x128xi32, #tpu.memory_space<hbm>>
    %dma_wait3A_127 = arith.constant 0 : i32
    %dma_wait3A_128 = arith.constant 0 : i32
    %dma_wait3A_129 = tpu.memref_slice %arg6[%dma_wait3A_119, %dma_wait3A_127, %dma_wait3A_128] : memref<6x1x128xi32, #tpu.memory_space<vmem>> -> memref<1x1x128xi32, #tpu.memory_space<vmem>>
    %dma_wait3A_130 = tpu.memref_squeeze %dma_wait3A_129 : memref<1x1x128xi32, #tpu.memory_space<vmem>> -> memref<1x128xi32, #tpu.memory_space<vmem>>
    %dma_wait3A_131 = arith.constant 0 : i32
    %dma_wait3A_132 = arith.constant 0 : i32
    %dma_wait3A_133 = tpu.memref_slice %arg2[%dma_wait3A_131, %dma_wait3A_132] : memref<25600x128xi32, #tpu.memory_space<hbm>> -> memref<1x128xi32, #tpu.memory_space<hbm>>
    tpu.wait_dma2 semaphore(%arg9 : memref<!tpu.dma_semaphore, #tpu.memory_space<semaphore_mem>>) src(%dma_wait3A_133 : memref<1x128xi32, #tpu.memory_space<hbm>>) dst(%dma_wait3A_130 : memref<1x128xi32, #tpu.memory_space<vmem>>)
    %dma_start3A_134 = arith.constant 2 : i32
    %dma_start3A_135 = arith.constant 0 : i32
    %dma_start3A_136 = arith.constant 2 : i32
    %dma_start3A_137 = arith.constant 0 : i32
    %dma_start3A_138 = arith.constant 0 : i32
    %dma_start3A_139 = tpu.memref_slice %arg7[%dma_start3A_136, %dma_start3A_137, %dma_start3A_138] : memref<6x128x128xf32, #tpu.memory_space<vmem>> -> memref<1x128x128xf32, #tpu.memory_space<vmem>>
    %dma_start3A_140 = tpu.memref_squeeze %dma_start3A_139 : memref<1x128x128xf32, #tpu.memory_space<vmem>> -> memref<128x128xf32, #tpu.memory_space<vmem>>
    %dma_start3A_141 = arith.constant 0 : i32
    %dma_start3A_142 = tpu.memref_slice %arg6[%dma_start3A_134, %dma_start3A_135, %dma_start3A_141] : memref<6x1x128xi32, #tpu.memory_space<vmem>> -> memref<1x1x128xi32, #tpu.memory_space<vmem>>
    %dma_start3A_143 = tpu.memref_squeeze %dma_start3A_142 : memref<1x1x128xi32, #tpu.memory_space<vmem>> -> memref<128xi32, #tpu.memory_space<vmem>>
    %dma_start3A_144 = arith.constant 0 : i32
    %dma_start3A_145 = arith.constant 0 : i32
    %dma_start3A_146 = tpu.memref_slice %arg3[%dma_start3A_144, %dma_start3A_145] : memref<1000000x128xf32, #tpu.memory_space<hbm>> -> memref<1000000x128xf32, #tpu.memory_space<hbm>>
    tpu.enqueue_indirect_dma source(%dma_start3A_146 : memref<1000000x128xf32, #tpu.memory_space<hbm>>) target(%dma_start3A_140 : memref<128x128xf32, #tpu.memory_space<vmem>>) offsets(%dma_start3A_143 : memref<128xi32, #tpu.memory_space<vmem>>) semaphore(%arg10 : memref<!tpu.dma_semaphore, #tpu.memory_space<semaphore_mem>>)
    %add3A_147 = arith.constant 3 : i32
    %add3A_148 = arith.addi %mul3A_2, %add3A_147 : i32
    %dma_start3A_149 = arith.constant 3 : i32
    %dma_start3A_150 = arith.constant 0 : i32
    %dma_start3A_151 = arith.constant 0 : i32
    %dma_start3A_152 = tpu.memref_slice %arg6[%dma_start3A_149, %dma_start3A_150, %dma_start3A_151] : memref<6x1x128xi32, #tpu.memory_space<vmem>> -> memref<1x1x128xi32, #tpu.memory_space<vmem>>
    %dma_start3A_153 = tpu.memref_squeeze %dma_start3A_152 : memref<1x1x128xi32, #tpu.memory_space<vmem>> -> memref<1x128xi32, #tpu.memory_space<vmem>>
    %dma_start3A_154 = arith.constant 0 : i32
    %dma_start3A_155 = tpu.memref_slice %arg2[%add3A_148, %dma_start3A_154] : memref<25600x128xi32, #tpu.memory_space<hbm>> -> memref<1x128xi32, #tpu.memory_space<hbm>>
    %dma_start3A_156 = arith.constant 0 : i32
    %dma_start3A_157 = arith.constant 0 : i32
    %dma_start3A_158 = tpu.memref_slice %arg6[%dma_start3A_149, %dma_start3A_156, %dma_start3A_157] : memref<6x1x128xi32, #tpu.memory_space<vmem>> -> memref<1x1x128xi32, #tpu.memory_space<vmem>>
    %dma_start3A_159 = tpu.memref_squeeze %dma_start3A_158 : memref<1x1x128xi32, #tpu.memory_space<vmem>> -> memref<1x128xi32, #tpu.memory_space<vmem>>
    %dma_start3A_160 = arith.constant 0 : i32
    %dma_start3A_161 = tpu.memref_slice %arg2[%add3A_148, %dma_start3A_160] : memref<25600x128xi32, #tpu.memory_space<hbm>> -> memref<1x128xi32, #tpu.memory_space<hbm>>
    tpu.enqueue_dma source(%dma_start3A_161 : memref<1x128xi32, #tpu.memory_space<hbm>>) target(%dma_start3A_159 : memref<1x128xi32, #tpu.memory_space<vmem>>) target_semaphore(%arg9 : memref<!tpu.dma_semaphore, #tpu.memory_space<semaphore_mem>>)
    %dma_wait3A_162 = arith.constant 3 : i32
    %dma_wait3A_163 = arith.constant 0 : i32
    %dma_wait3A_164 = arith.constant 0 : i32
    %dma_wait3A_165 = tpu.memref_slice %arg6[%dma_wait3A_162, %dma_wait3A_163, %dma_wait3A_164] : memref<6x1x128xi32, #tpu.memory_space<vmem>> -> memref<1x1x128xi32, #tpu.memory_space<vmem>>
    %dma_wait3A_166 = tpu.memref_squeeze %dma_wait3A_165 : memref<1x1x128xi32, #tpu.memory_space<vmem>> -> memref<1x128xi32, #tpu.memory_space<vmem>>
    %dma_wait3A_167 = arith.constant 0 : i32
    %dma_wait3A_168 = arith.constant 0 : i32
    %dma_wait3A_169 = tpu.memref_slice %arg2[%dma_wait3A_167, %dma_wait3A_168] : memref<25600x128xi32, #tpu.memory_space<hbm>> -> memref<1x128xi32, #tpu.memory_space<hbm>>
    %dma_wait3A_170 = arith.constant 0 : i32
    %dma_wait3A_171 = arith.constant 0 : i32
    %dma_wait3A_172 = tpu.memref_slice %arg6[%dma_wait3A_162, %dma_wait3A_170, %dma_wait3A_171] : memref<6x1x128xi32, #tpu.memory_space<vmem>> -> memref<1x1x128xi32, #tpu.memory_space<vmem>>
    %dma_wait3A_173 = tpu.memref_squeeze %dma_wait3A_172 : memref<1x1x128xi32, #tpu.memory_space<vmem>> -> memref<1x128xi32, #tpu.memory_space<vmem>>
    %dma_wait3A_174 = arith.constant 0 : i32
    %dma_wait3A_175 = arith.constant 0 : i32
    %dma_wait3A_176 = tpu.memref_slice %arg2[%dma_wait3A_174, %dma_wait3A_175] : memref<25600x128xi32, #tpu.memory_space<hbm>> -> memref<1x128xi32, #tpu.memory_space<hbm>>
    tpu.wait_dma2 semaphore(%arg9 : memref<!tpu.dma_semaphore, #tpu.memory_space<semaphore_mem>>) src(%dma_wait3A_176 : memref<1x128xi32, #tpu.memory_space<hbm>>) dst(%dma_wait3A_173 : memref<1x128xi32, #tpu.memory_space<vmem>>)
    %dma_start3A_177 = arith.constant 3 : i32
    %dma_start3A_178 = arith.constant 0 : i32
    %dma_start3A_179 = arith.constant 3 : i32
    %dma_start3A_180 = arith.constant 0 : i32
    %dma_start3A_181 = arith.constant 0 : i32
    %dma_start3A_182 = tpu.memref_slice %arg7[%dma_start3A_179, %dma_start3A_180, %dma_start3A_181] : memref<6x128x128xf32, #tpu.memory_space<vmem>> -> memref<1x128x128xf32, #tpu.memory_space<vmem>>
    %dma_start3A_183 = tpu.memref_squeeze %dma_start3A_182 : memref<1x128x128xf32, #tpu.memory_space<vmem>> -> memref<128x128xf32, #tpu.memory_space<vmem>>
    %dma_start3A_184 = arith.constant 0 : i32
    %dma_start3A_185 = tpu.memref_slice %arg6[%dma_start3A_177, %dma_start3A_178, %dma_start3A_184] : memref<6x1x128xi32, #tpu.memory_space<vmem>> -> memref<1x1x128xi32, #tpu.memory_space<vmem>>
    %dma_start3A_186 = tpu.memref_squeeze %dma_start3A_185 : memref<1x1x128xi32, #tpu.memory_space<vmem>> -> memref<128xi32, #tpu.memory_space<vmem>>
    %dma_start3A_187 = arith.constant 0 : i32
    %dma_start3A_188 = arith.constant 0 : i32
    %dma_start3A_189 = tpu.memref_slice %arg3[%dma_start3A_187, %dma_start3A_188] : memref<1000000x128xf32, #tpu.memory_space<hbm>> -> memref<1000000x128xf32, #tpu.memory_space<hbm>>
    tpu.enqueue_indirect_dma source(%dma_start3A_189 : memref<1000000x128xf32, #tpu.memory_space<hbm>>) target(%dma_start3A_183 : memref<128x128xf32, #tpu.memory_space<vmem>>) offsets(%dma_start3A_186 : memref<128xi32, #tpu.memory_space<vmem>>) semaphore(%arg10 : memref<!tpu.dma_semaphore, #tpu.memory_space<semaphore_mem>>)
    %add3A_190 = arith.constant 4 : i32
    %add3A_191 = arith.addi %mul3A_2, %add3A_190 : i32
    %dma_start3A_192 = arith.constant 4 : i32
    %dma_start3A_193 = arith.constant 0 : i32
    %dma_start3A_194 = arith.constant 0 : i32
    %dma_start3A_195 = tpu.memref_slice %arg6[%dma_start3A_192, %dma_start3A_193, %dma_start3A_194] : memref<6x1x128xi32, #tpu.memory_space<vmem>> -> memref<1x1x128xi32, #tpu.memory_space<vmem>>
    %dma_start3A_196 = tpu.memref_squeeze %dma_start3A_195 : memref<1x1x128xi32, #tpu.memory_space<vmem>> -> memref<1x128xi32, #tpu.memory_space<vmem>>
    %dma_start3A_197 = arith.constant 0 : i32
    %dma_start3A_198 = tpu.memref_slice %arg2[%add3A_191, %dma_start3A_197] : memref<25600x128xi32, #tpu.memory_space<hbm>> -> memref<1x128xi32, #tpu.memory_space<hbm>>
    %dma_start3A_199 = arith.constant 0 : i32
    %dma_start3A_200 = arith.constant 0 : i32
    %dma_start3A_201 = tpu.memref_slice %arg6[%dma_start3A_192, %dma_start3A_199, %dma_start3A_200] : memref<6x1x128xi32, #tpu.memory_space<vmem>> -> memref<1x1x128xi32, #tpu.memory_space<vmem>>
    %dma_start3A_202 = tpu.memref_squeeze %dma_start3A_201 : memref<1x1x128xi32, #tpu.memory_space<vmem>> -> memref<1x128xi32, #tpu.memory_space<vmem>>
    %dma_start3A_203 = arith.constant 0 : i32
    %dma_start3A_204 = tpu.memref_slice %arg2[%add3A_191, %dma_start3A_203] : memref<25600x128xi32, #tpu.memory_space<hbm>> -> memref<1x128xi32, #tpu.memory_space<hbm>>
    tpu.enqueue_dma source(%dma_start3A_204 : memref<1x128xi32, #tpu.memory_space<hbm>>) target(%dma_start3A_202 : memref<1x128xi32, #tpu.memory_space<vmem>>) target_semaphore(%arg9 : memref<!tpu.dma_semaphore, #tpu.memory_space<semaphore_mem>>)
    %add3A_205 = arith.constant 5 : i32
    %add3A_206 = arith.addi %mul3A_2, %add3A_205 : i32
    %dma_start3A_207 = arith.constant 5 : i32
    %dma_start3A_208 = arith.constant 0 : i32
    %dma_start3A_209 = arith.constant 0 : i32
    %dma_start3A_210 = tpu.memref_slice %arg6[%dma_start3A_207, %dma_start3A_208, %dma_start3A_209] : memref<6x1x128xi32, #tpu.memory_space<vmem>> -> memref<1x1x128xi32, #tpu.memory_space<vmem>>
    %dma_start3A_211 = tpu.memref_squeeze %dma_start3A_210 : memref<1x1x128xi32, #tpu.memory_space<vmem>> -> memref<1x128xi32, #tpu.memory_space<vmem>>
    %dma_start3A_212 = arith.constant 0 : i32
    %dma_start3A_213 = tpu.memref_slice %arg2[%add3A_206, %dma_start3A_212] : memref<25600x128xi32, #tpu.memory_space<hbm>> -> memref<1x128xi32, #tpu.memory_space<hbm>>
    %dma_start3A_214 = arith.constant 0 : i32
    %dma_start3A_215 = arith.constant 0 : i32
    %dma_start3A_216 = tpu.memref_slice %arg6[%dma_start3A_207, %dma_start3A_214, %dma_start3A_215] : memref<6x1x128xi32, #tpu.memory_space<vmem>> -> memref<1x1x128xi32, #tpu.memory_space<vmem>>
    %dma_start3A_217 = tpu.memref_squeeze %dma_start3A_216 : memref<1x1x128xi32, #tpu.memory_space<vmem>> -> memref<1x128xi32, #tpu.memory_space<vmem>>
    %dma_start3A_218 = arith.constant 0 : i32
    %dma_start3A_219 = tpu.memref_slice %arg2[%add3A_206, %dma_start3A_218] : memref<25600x128xi32, #tpu.memory_space<hbm>> -> memref<1x128xi32, #tpu.memory_space<hbm>>
    tpu.enqueue_dma source(%dma_start3A_219 : memref<1x128xi32, #tpu.memory_space<hbm>>) target(%dma_start3A_217 : memref<1x128xi32, #tpu.memory_space<vmem>>) target_semaphore(%arg9 : memref<!tpu.dma_semaphore, #tpu.memory_space<semaphore_mem>>)
    %scan3A = arith.constant 0 : i32
    %scan3A_220 = arith.constant 0 : i32
    %scan3A_221 = arith.constant 800 : i32
    %scan3A_222 = arith.addi %scan3A_220, %scan3A_221 : i32
    %scan3A_223 = arith.constant 1 : i32
    scf.for %scan3A_258 = %scan3A_220 to %scan3A_222 step %scan3A_223  : i32 {
      %rem3A_259 = arith.constant 6 : i32
      %rem3A_260 = arith.remsi %scan3A_258, %rem3A_259 : i32
      %ge3A = arith.constant 2 : i32
      %ge3A_261 = arith.cmpi sge, %scan3A_258, %ge3A : i32
      %convert_element_type3A = arith.extui %ge3A_261 : i1 to i32
      %cond3A = arith.constant 0 : i32
      %cond3A_262 = arith.cmpi ne, %convert_element_type3A, %cond3A : i32
      scf.if %cond3A_262 {
        %add3A_308 = arith.constant 4 : i32
        %add3A_309 = arith.addi %scan3A_258, %add3A_308 : i32
        %rem3A_310 = arith.constant 6 : i32
        %rem3A_311 = arith.remsi %add3A_309, %rem3A_310 : i32
        %dma_wait3A_312 = arith.constant 0 : i32
        %dma_wait3A_313 = arith.constant 0 : i32
        %dma_wait3A_314 = tpu.memref_slice %arg7[%rem3A_311, %dma_wait3A_312, %dma_wait3A_313] : memref<6x128x128xf32, #tpu.memory_space<vmem>> -> memref<1x128x64xf32, #tpu.memory_space<vmem>>
        %dma_wait3A_315 = tpu.memref_squeeze %dma_wait3A_314 : memref<1x128x64xf32, #tpu.memory_space<vmem>> -> memref<128x64xf32, #tpu.memory_space<vmem>>
        %dma_wait3A_316 = arith.constant 0 : i32
        %dma_wait3A_317 = arith.constant 0 : i32
        %dma_wait3A_318 = tpu.memref_slice %arg5[%dma_wait3A_316, %dma_wait3A_317] : memref<3276800x128xf32, #tpu.memory_space<hbm>> -> memref<128x64xf32, #tpu.memory_space<hbm>>
        %dma_wait3A_319 = arith.constant 0 : i32
        %dma_wait3A_320 = arith.constant 0 : i32
        %dma_wait3A_321 = tpu.memref_slice %arg5[%dma_wait3A_319, %dma_wait3A_320] : memref<3276800x128xf32, #tpu.memory_space<hbm>> -> memref<128x64xf32, #tpu.memory_space<hbm>>
        %dma_wait3A_322 = arith.constant 0 : i32
        %dma_wait3A_323 = arith.constant 0 : i32
        %dma_wait3A_324 = tpu.memref_slice %arg7[%rem3A_311, %dma_wait3A_322, %dma_wait3A_323] : memref<6x128x128xf32, #tpu.memory_space<vmem>> -> memref<1x128x64xf32, #tpu.memory_space<vmem>>
        %dma_wait3A_325 = tpu.memref_squeeze %dma_wait3A_324 : memref<1x128x64xf32, #tpu.memory_space<vmem>> -> memref<128x64xf32, #tpu.memory_space<vmem>>
        tpu.wait_dma2 semaphore(%arg11 : memref<!tpu.dma_semaphore, #tpu.memory_space<semaphore_mem>>) src(%dma_wait3A_325 : memref<128x64xf32, #tpu.memory_space<vmem>>) dst(%dma_wait3A_321 : memref<128x64xf32, #tpu.memory_space<hbm>>)
      } else {
      }
      %add3A_263 = arith.constant 4 : i32
      %add3A_264 = arith.addi %scan3A_258, %add3A_263 : i32
      %lt3A = arith.constant 800 : i32
      %lt3A_265 = arith.cmpi slt, %add3A_264, %lt3A : i32
      %convert_element_type3A_266 = arith.extui %lt3A_265 : i1 to i32
      %cond3A_267 = arith.constant 0 : i32
      %cond3A_268 = arith.cmpi ne, %convert_element_type3A_266, %cond3A_267 : i32
      scf.if %cond3A_268 {
        %add3A_308 = arith.constant 4 : i32
        %add3A_309 = arith.addi %scan3A_258, %add3A_308 : i32
        %rem3A_310 = arith.constant 6 : i32
        %rem3A_311 = arith.remsi %add3A_309, %rem3A_310 : i32
        %dma_wait3A_312 = arith.constant 0 : i32
        %dma_wait3A_313 = arith.constant 0 : i32
        %dma_wait3A_314 = tpu.memref_slice %arg6[%rem3A_311, %dma_wait3A_312, %dma_wait3A_313] : memref<6x1x128xi32, #tpu.memory_space<vmem>> -> memref<1x1x128xi32, #tpu.memory_space<vmem>>
        %dma_wait3A_315 = tpu.memref_squeeze %dma_wait3A_314 : memref<1x1x128xi32, #tpu.memory_space<vmem>> -> memref<1x128xi32, #tpu.memory_space<vmem>>
        %dma_wait3A_316 = arith.constant 0 : i32
        %dma_wait3A_317 = arith.constant 0 : i32
        %dma_wait3A_318 = tpu.memref_slice %arg2[%dma_wait3A_316, %dma_wait3A_317] : memref<25600x128xi32, #tpu.memory_space<hbm>> -> memref<1x128xi32, #tpu.memory_space<hbm>>
        %dma_wait3A_319 = arith.constant 0 : i32
        %dma_wait3A_320 = arith.constant 0 : i32
        %dma_wait3A_321 = tpu.memref_slice %arg6[%rem3A_311, %dma_wait3A_319, %dma_wait3A_320] : memref<6x1x128xi32, #tpu.memory_space<vmem>> -> memref<1x1x128xi32, #tpu.memory_space<vmem>>
        %dma_wait3A_322 = tpu.memref_squeeze %dma_wait3A_321 : memref<1x1x128xi32, #tpu.memory_space<vmem>> -> memref<1x128xi32, #tpu.memory_space<vmem>>
        %dma_wait3A_323 = arith.constant 0 : i32
        %dma_wait3A_324 = arith.constant 0 : i32
        %dma_wait3A_325 = tpu.memref_slice %arg2[%dma_wait3A_323, %dma_wait3A_324] : memref<25600x128xi32, #tpu.memory_space<hbm>> -> memref<1x128xi32, #tpu.memory_space<hbm>>
        tpu.wait_dma2 semaphore(%arg9 : memref<!tpu.dma_semaphore, #tpu.memory_space<semaphore_mem>>) src(%dma_wait3A_325 : memref<1x128xi32, #tpu.memory_space<hbm>>) dst(%dma_wait3A_322 : memref<1x128xi32, #tpu.memory_space<vmem>>)
        %dma_start3A_326 = arith.constant 0 : i32
        %dma_start3A_327 = arith.constant 0 : i32
        %dma_start3A_328 = arith.constant 0 : i32
        %dma_start3A_329 = tpu.memref_slice %arg7[%rem3A_311, %dma_start3A_327, %dma_start3A_328] : memref<6x128x128xf32, #tpu.memory_space<vmem>> -> memref<1x128x128xf32, #tpu.memory_space<vmem>>
        %dma_start3A_330 = tpu.memref_squeeze %dma_start3A_329 : memref<1x128x128xf32, #tpu.memory_space<vmem>> -> memref<128x128xf32, #tpu.memory_space<vmem>>
        %dma_start3A_331 = arith.constant 0 : i32
        %dma_start3A_332 = tpu.memref_slice %arg6[%rem3A_311, %dma_start3A_326, %dma_start3A_331] : memref<6x1x128xi32, #tpu.memory_space<vmem>> -> memref<1x1x128xi32, #tpu.memory_space<vmem>>
        %dma_start3A_333 = tpu.memref_squeeze %dma_start3A_332 : memref<1x1x128xi32, #tpu.memory_space<vmem>> -> memref<128xi32, #tpu.memory_space<vmem>>
        %dma_start3A_334 = arith.constant 0 : i32
        %dma_start3A_335 = arith.constant 0 : i32
        %dma_start3A_336 = tpu.memref_slice %arg3[%dma_start3A_334, %dma_start3A_335] : memref<1000000x128xf32, #tpu.memory_space<hbm>> -> memref<1000000x128xf32, #tpu.memory_space<hbm>>
        tpu.enqueue_indirect_dma source(%dma_start3A_336 : memref<1000000x128xf32, #tpu.memory_space<hbm>>) target(%dma_start3A_330 : memref<128x128xf32, #tpu.memory_space<vmem>>) offsets(%dma_start3A_333 : memref<128xi32, #tpu.memory_space<vmem>>) semaphore(%arg10 : memref<!tpu.dma_semaphore, #tpu.memory_space<semaphore_mem>>)
      } else {
      }
      %dma_wait3A_269 = arith.constant 0 : i32
      %dma_wait3A_270 = arith.constant 0 : i32
      %dma_wait3A_271 = arith.constant 0 : i32
      %dma_wait3A_272 = tpu.memref_slice %arg7[%rem3A_260, %dma_wait3A_270, %dma_wait3A_271] : memref<6x128x128xf32, #tpu.memory_space<vmem>> -> memref<1x128x128xf32, #tpu.memory_space<vmem>>
      %dma_wait3A_273 = tpu.memref_squeeze %dma_wait3A_272 : memref<1x128x128xf32, #tpu.memory_space<vmem>> -> memref<128x128xf32, #tpu.memory_space<vmem>>
      %dma_wait3A_274 = arith.constant 0 : i32
      %dma_wait3A_275 = tpu.memref_slice %arg6[%rem3A_260, %dma_wait3A_269, %dma_wait3A_274] : memref<6x1x128xi32, #tpu.memory_space<vmem>> -> memref<1x1x128xi32, #tpu.memory_space<vmem>>
      %dma_wait3A_276 = tpu.memref_squeeze %dma_wait3A_275 : memref<1x1x128xi32, #tpu.memory_space<vmem>> -> memref<128xi32, #tpu.memory_space<vmem>>
      %dma_wait3A_277 = arith.constant 0 : i32
      %dma_wait3A_278 = arith.constant 0 : i32
      %dma_wait3A_279 = tpu.memref_slice %arg3[%dma_wait3A_277, %dma_wait3A_278] : memref<1000000x128xf32, #tpu.memory_space<hbm>> -> memref<1000000x128xf32, #tpu.memory_space<hbm>>
      tpu.wait_indirect_dma semaphore(%arg10 : memref<!tpu.dma_semaphore, #tpu.memory_space<semaphore_mem>>) src(%dma_wait3A_279 : memref<1000000x128xf32, #tpu.memory_space<hbm>>) dst(%dma_wait3A_273 : memref<128x128xf32, #tpu.memory_space<vmem>>)
      %add3A_280 = arith.constant 6 : i32
      %add3A_281 = arith.addi %scan3A_258, %add3A_280 : i32
      %lt3A_282 = arith.constant 800 : i32
      %lt3A_283 = arith.cmpi slt, %add3A_281, %lt3A_282 : i32
      %convert_element_type3A_284 = arith.extui %lt3A_283 : i1 to i32
      %cond3A_285 = arith.constant 0 : i32
      %cond3A_286 = arith.cmpi ne, %convert_element_type3A_284, %cond3A_285 : i32
      scf.if %cond3A_286 {
        %add3A_308 = arith.constant 6 : i32
        %add3A_309 = arith.addi %scan3A_258, %add3A_308 : i32
        %add3A_310 = arith.addi %mul3A_2, %add3A_309 : i32
        %dma_start3A_311 = arith.constant 0 : i32
        %dma_start3A_312 = arith.constant 0 : i32
        %dma_start3A_313 = tpu.memref_slice %arg6[%rem3A_260, %dma_start3A_311, %dma_start3A_312] : memref<6x1x128xi32, #tpu.memory_space<vmem>> -> memref<1x1x128xi32, #tpu.memory_space<vmem>>
        %dma_start3A_314 = tpu.memref_squeeze %dma_start3A_313 : memref<1x1x128xi32, #tpu.memory_space<vmem>> -> memref<1x128xi32, #tpu.memory_space<vmem>>
        %dma_start3A_315 = arith.constant 0 : i32
        %dma_start3A_316 = tpu.memref_slice %arg2[%add3A_310, %dma_start3A_315] : memref<25600x128xi32, #tpu.memory_space<hbm>> -> memref<1x128xi32, #tpu.memory_space<hbm>>
        %dma_start3A_317 = arith.constant 0 : i32
        %dma_start3A_318 = arith.constant 0 : i32
        %dma_start3A_319 = tpu.memref_slice %arg6[%rem3A_260, %dma_start3A_317, %dma_start3A_318] : memref<6x1x128xi32, #tpu.memory_space<vmem>> -> memref<1x1x128xi32, #tpu.memory_space<vmem>>
        %dma_start3A_320 = tpu.memref_squeeze %dma_start3A_319 : memref<1x1x128xi32, #tpu.memory_space<vmem>> -> memref<1x128xi32, #tpu.memory_space<vmem>>
        %dma_start3A_321 = arith.constant 0 : i32
        %dma_start3A_322 = tpu.memref_slice %arg2[%add3A_310, %dma_start3A_321] : memref<25600x128xi32, #tpu.memory_space<hbm>> -> memref<1x128xi32, #tpu.memory_space<hbm>>
        tpu.enqueue_dma source(%dma_start3A_322 : memref<1x128xi32, #tpu.memory_space<hbm>>) target(%dma_start3A_320 : memref<1x128xi32, #tpu.memory_space<vmem>>) target_semaphore(%arg9 : memref<!tpu.dma_semaphore, #tpu.memory_space<semaphore_mem>>)
      } else {
      }
      %scan3A_287 = arith.constant 0 : i32
      %scan3A_288 = arith.constant 0 : i32
      %scan3A_289 = arith.constant 128 : i32
      %scan3A_290 = arith.addi %scan3A_288, %scan3A_289 : i32
      %scan3A_291 = arith.constant 4 : i32
      scf.for %scan3A_308 = %scan3A_288 to %scan3A_290 step %scan3A_291  : i32 {
        %get3A_309 = arith.index_cast %rem3A_260 : i32 to index
        %get3A_310 = arith.index_cast %scan3A_308 : i32 to index
        %get3A_311 = arith.constant 0 : index
        %get3A_312 = tpu.vector_load %arg7[%get3A_309, %get3A_310, %get3A_311] {strides = array<i32>} : memref<6x128x128xf32, #tpu.memory_space<vmem>>, vector<16xf32>,
        %sub3A = arith.subf %get3A_312, %get3A_7 : vector<16xf32>
        %swap3A = arith.index_cast %rem3A_260 : i32 to index
        %swap3A_313 = arith.index_cast %scan3A_308 : i32 to index
        %swap3A_314 = arith.constant 0 : index
        %swap3A_315 = tpu.vector_load %arg7[%swap3A, %swap3A_313, %swap3A_314] {strides = array<i32>} : memref<6x128x128xf32, #tpu.memory_space<vmem>>, vector<16xf32>,
        tpu.vector_store %arg7[%swap3A, %swap3A_313, %swap3A_314], %sub3A {strides = array<i32>} : memref<6x128x128xf32, #tpu.memory_space<vmem>>, vector<16xf32>,
        %get3A_316 = arith.index_cast %rem3A_260 : i32 to index
        %get3A_317 = arith.index_cast %scan3A_308 : i32 to index
        %get3A_318 = arith.constant 16 : index
        %get3A_319 = tpu.vector_load %arg7[%get3A_316, %get3A_317, %get3A_318] {strides = array<i32>} : memref<6x128x128xf32, #tpu.memory_space<vmem>>, vector<16xf32>,
        %sub3A_320 = arith.subf %get3A_319, %get3A_11 : vector<16xf32>
        %swap3A_321 = arith.index_cast %rem3A_260 : i32 to index
        %swap3A_322 = arith.index_cast %scan3A_308 : i32 to index
        %swap3A_323 = arith.constant 16 : index
        %swap3A_324 = tpu.vector_load %arg7[%swap3A_321, %swap3A_322, %swap3A_323] {strides = array<i32>} : memref<6x128x128xf32, #tpu.memory_space<vmem>>, vector<16xf32>,
        tpu.vector_store %arg7[%swap3A_321, %swap3A_322, %swap3A_323], %sub3A_320 {strides = array<i32>} : memref<6x128x128xf32, #tpu.memory_space<vmem>>, vector<16xf32>,
        %get3A_325 = arith.index_cast %rem3A_260 : i32 to index
        %get3A_326 = arith.index_cast %scan3A_308 : i32 to index
        %get3A_327 = arith.constant 32 : index
        %get3A_328 = tpu.vector_load %arg7[%get3A_325, %get3A_326, %get3A_327] {strides = array<i32>} : memref<6x128x128xf32, #tpu.memory_space<vmem>>, vector<16xf32>,
        %sub3A_329 = arith.subf %get3A_328, %get3A_15 : vector<16xf32>
        %swap3A_330 = arith.index_cast %rem3A_260 : i32 to index
        %swap3A_331 = arith.index_cast %scan3A_308 : i32 to index
        %swap3A_332 = arith.constant 32 : index
        %swap3A_333 = tpu.vector_load %arg7[%swap3A_330, %swap3A_331, %swap3A_332] {strides = array<i32>} : memref<6x128x128xf32, #tpu.memory_space<vmem>>, vector<16xf32>,
        tpu.vector_store %arg7[%swap3A_330, %swap3A_331, %swap3A_332], %sub3A_329 {strides = array<i32>} : memref<6x128x128xf32, #tpu.memory_space<vmem>>, vector<16xf32>,
        %get3A_334 = arith.index_cast %rem3A_260 : i32 to index
        %get3A_335 = arith.index_cast %scan3A_308 : i32 to index
        %get3A_336 = arith.constant 48 : index
        %get3A_337 = tpu.vector_load %arg7[%get3A_334, %get3A_335, %get3A_336] {strides = array<i32>} : memref<6x128x128xf32, #tpu.memory_space<vmem>>, vector<16xf32>,
        %sub3A_338 = arith.subf %get3A_337, %get3A_19 : vector<16xf32>
        %swap3A_339 = arith.index_cast %rem3A_260 : i32 to index
        %swap3A_340 = arith.index_cast %scan3A_308 : i32 to index
        %swap3A_341 = arith.constant 48 : index
        %swap3A_342 = tpu.vector_load %arg7[%swap3A_339, %swap3A_340, %swap3A_341] {strides = array<i32>} : memref<6x128x128xf32, #tpu.memory_space<vmem>>, vector<16xf32>,
        tpu.vector_store %arg7[%swap3A_339, %swap3A_340, %swap3A_341], %sub3A_338 {strides = array<i32>} : memref<6x128x128xf32, #tpu.memory_space<vmem>>, vector<16xf32>,
        %scan3A_343 = arith.constant 1 : i32
        %scan3A_344 = arith.addi %scan3A_308, %scan3A_343 : i32
        %get3A_345 = arith.index_cast %rem3A_260 : i32 to index
        %get3A_346 = arith.index_cast %scan3A_344 : i32 to index
        %get3A_347 = arith.constant 0 : index
        %get3A_348 = tpu.vector_load %arg7[%get3A_345, %get3A_346, %get3A_347] {strides = array<i32>} : memref<6x128x128xf32, #tpu.memory_space<vmem>>, vector<16xf32>,
        %sub3A_349 = arith.subf %get3A_348, %get3A_7 : vector<16xf32>
        %swap3A_350 = arith.index_cast %rem3A_260 : i32 to index
        %swap3A_351 = arith.index_cast %scan3A_344 : i32 to index
        %swap3A_352 = arith.constant 0 : index
        %swap3A_353 = tpu.vector_load %arg7[%swap3A_350, %swap3A_351, %swap3A_352] {strides = array<i32>} : memref<6x128x128xf32, #tpu.memory_space<vmem>>, vector<16xf32>,
        tpu.vector_store %arg7[%swap3A_350, %swap3A_351, %swap3A_352], %sub3A_349 {strides = array<i32>} : memref<6x128x128xf32, #tpu.memory_space<vmem>>, vector<16xf32>,
        %get3A_354 = arith.index_cast %rem3A_260 : i32 to index
        %get3A_355 = arith.index_cast %scan3A_344 : i32 to index
        %get3A_356 = arith.constant 16 : index
        %get3A_357 = tpu.vector_load %arg7[%get3A_354, %get3A_355, %get3A_356] {strides = array<i32>} : memref<6x128x128xf32, #tpu.memory_space<vmem>>, vector<16xf32>,
        %sub3A_358 = arith.subf %get3A_357, %get3A_11 : vector<16xf32>
        %swap3A_359 = arith.index_cast %rem3A_260 : i32 to index
        %swap3A_360 = arith.index_cast %scan3A_344 : i32 to index
        %swap3A_361 = arith.constant 16 : index
        %swap3A_362 = tpu.vector_load %arg7[%swap3A_359, %swap3A_360, %swap3A_361] {strides = array<i32>} : memref<6x128x128xf32, #tpu.memory_space<vmem>>, vector<16xf32>,
        tpu.vector_store %arg7[%swap3A_359, %swap3A_360, %swap3A_361], %sub3A_358 {strides = array<i32>} : memref<6x128x128xf32, #tpu.memory_space<vmem>>, vector<16xf32>,
        %get3A_363 = arith.index_cast %rem3A_260 : i32 to index
        %get3A_364 = arith.index_cast %scan3A_344 : i32 to index
        %get3A_365 = arith.constant 32 : index
        %get3A_366 = tpu.vector_load %arg7[%get3A_363, %get3A_364, %get3A_365] {strides = array<i32>} : memref<6x128x128xf32, #tpu.memory_space<vmem>>, vector<16xf32>,
        %sub3A_367 = arith.subf %get3A_366, %get3A_15 : vector<16xf32>
        %swap3A_368 = arith.index_cast %rem3A_260 : i32 to index
        %swap3A_369 = arith.index_cast %scan3A_344 : i32 to index
        %swap3A_370 = arith.constant 32 : index
        %swap3A_371 = tpu.vector_load %arg7[%swap3A_368, %swap3A_369, %swap3A_370] {strides = array<i32>} : memref<6x128x128xf32, #tpu.memory_space<vmem>>, vector<16xf32>,
        tpu.vector_store %arg7[%swap3A_368, %swap3A_369, %swap3A_370], %sub3A_367 {strides = array<i32>} : memref<6x128x128xf32, #tpu.memory_space<vmem>>, vector<16xf32>,
        %get3A_372 = arith.index_cast %rem3A_260 : i32 to index
        %get3A_373 = arith.index_cast %scan3A_344 : i32 to index
        %get3A_374 = arith.constant 48 : index
        %get3A_375 = tpu.vector_load %arg7[%get3A_372, %get3A_373, %get3A_374] {strides = array<i32>} : memref<6x128x128xf32, #tpu.memory_space<vmem>>, vector<16xf32>,
        %sub3A_376 = arith.subf %get3A_375, %get3A_19 : vector<16xf32>
        %swap3A_377 = arith.index_cast %rem3A_260 : i32 to index
        %swap3A_378 = arith.index_cast %scan3A_344 : i32 to index
        %swap3A_379 = arith.constant 48 : index
        %swap3A_380 = tpu.vector_load %arg7[%swap3A_377, %swap3A_378, %swap3A_379] {strides = array<i32>} : memref<6x128x128xf32, #tpu.memory_space<vmem>>, vector<16xf32>,
        tpu.vector_store %arg7[%swap3A_377, %swap3A_378, %swap3A_379], %sub3A_376 {strides = array<i32>} : memref<6x128x128xf32, #tpu.memory_space<vmem>>, vector<16xf32>,
        %scan3A_381 = arith.constant 2 : i32
        %scan3A_382 = arith.addi %scan3A_308, %scan3A_381 : i32
        %get3A_383 = arith.index_cast %rem3A_260 : i32 to index
        %get3A_384 = arith.index_cast %scan3A_382 : i32 to index
        %get3A_385 = arith.constant 0 : index
        %get3A_386 = tpu.vector_load %arg7[%get3A_383, %get3A_384, %get3A_385] {strides = array<i32>} : memref<6x128x128xf32, #tpu.memory_space<vmem>>, vector<16xf32>,
        %sub3A_387 = arith.subf %get3A_386, %get3A_7 : vector<16xf32>
        %swap3A_388 = arith.index_cast %rem3A_260 : i32 to index
        %swap3A_389 = arith.index_cast %scan3A_382 : i32 to index
        %swap3A_390 = arith.constant 0 : index
        %swap3A_391 = tpu.vector_load %arg7[%swap3A_388, %swap3A_389, %swap3A_390] {strides = array<i32>} : memref<6x128x128xf32, #tpu.memory_space<vmem>>, vector<16xf32>,
        tpu.vector_store %arg7[%swap3A_388, %swap3A_389, %swap3A_390], %sub3A_387 {strides = array<i32>} : memref<6x128x128xf32, #tpu.memory_space<vmem>>, vector<16xf32>,
        %get3A_392 = arith.index_cast %rem3A_260 : i32 to index
        %get3A_393 = arith.index_cast %scan3A_382 : i32 to index
        %get3A_394 = arith.constant 16 : index
        %get3A_395 = tpu.vector_load %arg7[%get3A_392, %get3A_393, %get3A_394] {strides = array<i32>} : memref<6x128x128xf32, #tpu.memory_space<vmem>>, vector<16xf32>,
        %sub3A_396 = arith.subf %get3A_395, %get3A_11 : vector<16xf32>
        %swap3A_397 = arith.index_cast %rem3A_260 : i32 to index
        %swap3A_398 = arith.index_cast %scan3A_382 : i32 to index
        %swap3A_399 = arith.constant 16 : index
        %swap3A_400 = tpu.vector_load %arg7[%swap3A_397, %swap3A_398, %swap3A_399] {strides = array<i32>} : memref<6x128x128xf32, #tpu.memory_space<vmem>>, vector<16xf32>,
        tpu.vector_store %arg7[%swap3A_397, %swap3A_398, %swap3A_399], %sub3A_396 {strides = array<i32>} : memref<6x128x128xf32, #tpu.memory_space<vmem>>, vector<16xf32>,
        %get3A_401 = arith.index_cast %rem3A_260 : i32 to index
        %get3A_402 = arith.index_cast %scan3A_382 : i32 to index
        %get3A_403 = arith.constant 32 : index
        %get3A_404 = tpu.vector_load %arg7[%get3A_401, %get3A_402, %get3A_403] {strides = array<i32>} : memref<6x128x128xf32, #tpu.memory_space<vmem>>, vector<16xf32>,
        %sub3A_405 = arith.subf %get3A_404, %get3A_15 : vector<16xf32>
        %swap3A_406 = arith.index_cast %rem3A_260 : i32 to index
        %swap3A_407 = arith.index_cast %scan3A_382 : i32 to index
        %swap3A_408 = arith.constant 32 : index
        %swap3A_409 = tpu.vector_load %arg7[%swap3A_406, %swap3A_407, %swap3A_408] {strides = array<i32>} : memref<6x128x128xf32, #tpu.memory_space<vmem>>, vector<16xf32>,
        tpu.vector_store %arg7[%swap3A_406, %swap3A_407, %swap3A_408], %sub3A_405 {strides = array<i32>} : memref<6x128x128xf32, #tpu.memory_space<vmem>>, vector<16xf32>,
        %get3A_410 = arith.index_cast %rem3A_260 : i32 to index
        %get3A_411 = arith.index_cast %scan3A_382 : i32 to index
        %get3A_412 = arith.constant 48 : index
        %get3A_413 = tpu.vector_load %arg7[%get3A_410, %get3A_411, %get3A_412] {strides = array<i32>} : memref<6x128x128xf32, #tpu.memory_space<vmem>>, vector<16xf32>,
        %sub3A_414 = arith.subf %get3A_413, %get3A_19 : vector<16xf32>
        %swap3A_415 = arith.index_cast %rem3A_260 : i32 to index
        %swap3A_416 = arith.index_cast %scan3A_382 : i32 to index
        %swap3A_417 = arith.constant 48 : index
        %swap3A_418 = tpu.vector_load %arg7[%swap3A_415, %swap3A_416, %swap3A_417] {strides = array<i32>} : memref<6x128x128xf32, #tpu.memory_space<vmem>>, vector<16xf32>,
        tpu.vector_store %arg7[%swap3A_415, %swap3A_416, %swap3A_417], %sub3A_414 {strides = array<i32>} : memref<6x128x128xf32, #tpu.memory_space<vmem>>, vector<16xf32>,
        %scan3A_419 = arith.constant 3 : i32
        %scan3A_420 = arith.addi %scan3A_308, %scan3A_419 : i32
        %get3A_421 = arith.index_cast %rem3A_260 : i32 to index
        %get3A_422 = arith.index_cast %scan3A_420 : i32 to index
        %get3A_423 = arith.constant 0 : index
        %get3A_424 = tpu.vector_load %arg7[%get3A_421, %get3A_422, %get3A_423] {strides = array<i32>} : memref<6x128x128xf32, #tpu.memory_space<vmem>>, vector<16xf32>,
        %sub3A_425 = arith.subf %get3A_424, %get3A_7 : vector<16xf32>
        %swap3A_426 = arith.index_cast %rem3A_260 : i32 to index
        %swap3A_427 = arith.index_cast %scan3A_420 : i32 to index
        %swap3A_428 = arith.constant 0 : index
        %swap3A_429 = tpu.vector_load %arg7[%swap3A_426, %swap3A_427, %swap3A_428] {strides = array<i32>} : memref<6x128x128xf32, #tpu.memory_space<vmem>>, vector<16xf32>,
        tpu.vector_store %arg7[%swap3A_426, %swap3A_427, %swap3A_428], %sub3A_425 {strides = array<i32>} : memref<6x128x128xf32, #tpu.memory_space<vmem>>, vector<16xf32>,
        %get3A_430 = arith.index_cast %rem3A_260 : i32 to index
        %get3A_431 = arith.index_cast %scan3A_420 : i32 to index
        %get3A_432 = arith.constant 16 : index
        %get3A_433 = tpu.vector_load %arg7[%get3A_430, %get3A_431, %get3A_432] {strides = array<i32>} : memref<6x128x128xf32, #tpu.memory_space<vmem>>, vector<16xf32>,
        %sub3A_434 = arith.subf %get3A_433, %get3A_11 : vector<16xf32>
        %swap3A_435 = arith.index_cast %rem3A_260 : i32 to index
        %swap3A_436 = arith.index_cast %scan3A_420 : i32 to index
        %swap3A_437 = arith.constant 16 : index
        %swap3A_438 = tpu.vector_load %arg7[%swap3A_435, %swap3A_436, %swap3A_437] {strides = array<i32>} : memref<6x128x128xf32, #tpu.memory_space<vmem>>, vector<16xf32>,
        tpu.vector_store %arg7[%swap3A_435, %swap3A_436, %swap3A_437], %sub3A_434 {strides = array<i32>} : memref<6x128x128xf32, #tpu.memory_space<vmem>>, vector<16xf32>,
        %get3A_439 = arith.index_cast %rem3A_260 : i32 to index
        %get3A_440 = arith.index_cast %scan3A_420 : i32 to index
        %get3A_441 = arith.constant 32 : index
        %get3A_442 = tpu.vector_load %arg7[%get3A_439, %get3A_440, %get3A_441] {strides = array<i32>} : memref<6x128x128xf32, #tpu.memory_space<vmem>>, vector<16xf32>,
        %sub3A_443 = arith.subf %get3A_442, %get3A_15 : vector<16xf32>
        %swap3A_444 = arith.index_cast %rem3A_260 : i32 to index
        %swap3A_445 = arith.index_cast %scan3A_420 : i32 to index
        %swap3A_446 = arith.constant 32 : index
        %swap3A_447 = tpu.vector_load %arg7[%swap3A_444, %swap3A_445, %swap3A_446] {strides = array<i32>} : memref<6x128x128xf32, #tpu.memory_space<vmem>>, vector<16xf32>,
        tpu.vector_store %arg7[%swap3A_444, %swap3A_445, %swap3A_446], %sub3A_443 {strides = array<i32>} : memref<6x128x128xf32, #tpu.memory_space<vmem>>, vector<16xf32>,
        %get3A_448 = arith.index_cast %rem3A_260 : i32 to index
        %get3A_449 = arith.index_cast %scan3A_420 : i32 to index
        %get3A_450 = arith.constant 48 : index
        %get3A_451 = tpu.vector_load %arg7[%get3A_448, %get3A_449, %get3A_450] {strides = array<i32>} : memref<6x128x128xf32, #tpu.memory_space<vmem>>, vector<16xf32>,
        %sub3A_452 = arith.subf %get3A_451, %get3A_19 : vector<16xf32>
        %swap3A_453 = arith.index_cast %rem3A_260 : i32 to index
        %swap3A_454 = arith.index_cast %scan3A_420 : i32 to index
        %swap3A_455 = arith.constant 48 : index
        %swap3A_456 = tpu.vector_load %arg7[%swap3A_453, %swap3A_454, %swap3A_455] {strides = array<i32>} : memref<6x128x128xf32, #tpu.memory_space<vmem>>, vector<16xf32>,
        tpu.vector_store %arg7[%swap3A_453, %swap3A_454, %swap3A_455], %sub3A_452 {strides = array<i32>} : memref<6x128x128xf32, #tpu.memory_space<vmem>>, vector<16xf32>,
      }
      %scan3A_292 = arith.constant 128 : i32
      %mul3A_293 = arith.constant 128 : i32
      %mul3A_294 = arith.muli %scan3A_258, %mul3A_293 : i32
      %add3A_295 = arith.addi %mul3A_4, %mul3A_294 : i32
      %dma_start3A_296 = arith.constant 0 : i32
      %dma_start3A_297 = arith.constant 0 : i32
      %dma_start3A_298 = tpu.memref_slice %arg7[%rem3A_260, %dma_start3A_296, %dma_start3A_297] : memref<6x128x128xf32, #tpu.memory_space<vmem>> -> memref<1x128x64xf32, #tpu.memory_space<vmem>>
      %dma_start3A_299 = tpu.memref_squeeze %dma_start3A_298 : memref<1x128x64xf32, #tpu.memory_space<vmem>> -> memref<128x64xf32, #tpu.memory_space<vmem>>
      %dma_start3A_300 = arith.constant 0 : i32
      %dma_start3A_301 = tpu.memref_slice %arg5[%add3A_295, %dma_start3A_300] : memref<3276800x128xf32, #tpu.memory_space<hbm>> -> memref<128x64xf32, #tpu.memory_space<hbm>>
      %dma_start3A_302 = arith.constant 0 : i32
      %dma_start3A_303 = tpu.memref_slice %arg5[%add3A_295, %dma_start3A_302] : memref<3276800x128xf32, #tpu.memory_space<hbm>> -> memref<128x64xf32, #tpu.memory_space<hbm>>
      %dma_start3A_304 = arith.constant 0 : i32
      %dma_start3A_305 = arith.constant 0 : i32
      %dma_start3A_306 = tpu.memref_slice %arg7[%rem3A_260, %dma_start3A_304, %dma_start3A_305] : memref<6x128x128xf32, #tpu.memory_space<vmem>> -> memref<1x128x64xf32, #tpu.memory_space<vmem>>
      %dma_start3A_307 = tpu.memref_squeeze %dma_start3A_306 : memref<1x128x64xf32, #tpu.memory_space<vmem>> -> memref<128x64xf32, #tpu.memory_space<vmem>>
      tpu.enqueue_dma source(%dma_start3A_307 : memref<128x64xf32, #tpu.memory_space<vmem>>) target(%dma_start3A_303 : memref<128x64xf32, #tpu.memory_space<hbm>>) target_semaphore(%arg11 : memref<!tpu.dma_semaphore, #tpu.memory_space<semaphore_mem>>)
    }
    %scan3A_224 = arith.constant 800 : i32
    %rem3A = arith.constant 798 : i32
    %rem3A_225 = arith.constant 6 : i32
    %rem3A_226 = arith.remsi %rem3A, %rem3A_225 : i32
    %dma_wait3A_227 = arith.constant 0 : i32
    %dma_wait3A_228 = arith.constant 0 : i32
    %dma_wait3A_229 = tpu.memref_slice %arg7[%rem3A_226, %dma_wait3A_227, %dma_wait3A_228] : memref<6x128x128xf32, #tpu.memory_space<vmem>> -> memref<1x128x64xf32, #tpu.memory_space<vmem>>
    %dma_wait3A_230 = tpu.memref_squeeze %dma_wait3A_229 : memref<1x128x64xf32, #tpu.memory_space<vmem>> -> memref<128x64xf32, #tpu.memory_space<vmem>>
    %dma_wait3A_231 = arith.constant 0 : i32
    %dma_wait3A_232 = arith.constant 0 : i32
    %dma_wait3A_233 = tpu.memref_slice %arg5[%dma_wait3A_231, %dma_wait3A_232] : memref<3276800x128xf32, #tpu.memory_space<hbm>> -> memref<128x64xf32, #tpu.memory_space<hbm>>
    %dma_wait3A_234 = arith.constant 0 : i32
    %dma_wait3A_235 = arith.constant 0 : i32
    %dma_wait3A_236 = tpu.memref_slice %arg5[%dma_wait3A_234, %dma_wait3A_235] : memref<3276800x128xf32, #tpu.memory_space<hbm>> -> memref<128x64xf32, #tpu.memory_space<hbm>>
    %dma_wait3A_237 = arith.constant 0 : i32
    %dma_wait3A_238 = arith.constant 0 : i32
    %dma_wait3A_239 = tpu.memref_slice %arg7[%rem3A_226, %dma_wait3A_237, %dma_wait3A_238] : memref<6x128x128xf32, #tpu.memory_space<vmem>> -> memref<1x128x64xf32, #tpu.memory_space<vmem>>
    %dma_wait3A_240 = tpu.memref_squeeze %dma_wait3A_239 : memref<1x128x64xf32, #tpu.memory_space<vmem>> -> memref<128x64xf32, #tpu.memory_space<vmem>>
    tpu.wait_dma2 semaphore(%arg11 : memref<!tpu.dma_semaphore, #tpu.memory_space<semaphore_mem>>) src(%dma_wait3A_240 : memref<128x64xf32, #tpu.memory_space<vmem>>) dst(%dma_wait3A_236 : memref<128x64xf32, #tpu.memory_space<hbm>>)
    %rem3A_241 = arith.constant 799 : i32
    %rem3A_242 = arith.constant 6 : i32
    %rem3A_243 = arith.remsi %rem3A_241, %rem3A_242 : i32
    %dma_wait3A_244 = arith.constant 0 : i32
    %dma_wait3A_245 = arith.constant 0 : i32
    %dma_wait3A_246 = tpu.memref_slice %arg7[%rem3A_243, %dma_wait3A_244, %dma_wait3A_245] : memref<6x128x128xf32, #tpu.memory_space<vmem>> -> memref<1x128x64xf32, #tpu.memory_space<vmem>>
    %dma_wait3A_247 = tpu.memref_squeeze %dma_wait3A_246 : memref<1x128x64xf32, #tpu.memory_space<vmem>> -> memref<128x64xf32, #tpu.memory_space<vmem>>
    %dma_wait3A_248 = arith.constant 0 : i32
    %dma_wait3A_249 = arith.constant 0 : i32
    %dma_wait3A_250 = tpu.memref_slice %arg5[%dma_wait3A_248, %dma_wait3A_249] : memref<3276800x128xf32, #tpu.memory_space<hbm>> -> memref<128x64xf32, #tpu.memory_space<hbm>>
    %dma_wait3A_251 = arith.constant 0 : i32
    %dma_wait3A_252 = arith.constant 0 : i32
    %dma_wait3A_253 = tpu.memref_slice %arg5[%dma_wait3A_251, %dma_wait3A_252] : memref<3276800x128xf32, #tpu.memory_space<hbm>> -> memref<128x64xf32, #tpu.memory_space<hbm>>
    %dma_wait3A_254 = arith.constant 0 : i32
    %dma_wait3A_255 = arith.constant 0 : i32
    %dma_wait3A_256 = tpu.memref_slice %arg7[%rem3A_243, %dma_wait3A_254, %dma_wait3A_255] : memref<6x128x128xf32, #tpu.memory_space<vmem>> -> memref<1x128x64xf32, #tpu.memory_space<vmem>>
    %dma_wait3A_257 = tpu.memref_squeeze %dma_wait3A_256 : memref<1x128x64xf32, #tpu.memory_space<vmem>> -> memref<128x64xf32, #tpu.memory_space<vmem>>
    tpu.wait_dma2 semaphore(%arg11 : memref<!tpu.dma_semaphore, #tpu.memory_space<semaphore_mem>>) src(%dma_wait3A_257 : memref<128x64xf32, #tpu.memory_space<vmem>>) dst(%dma_wait3A_253 : memref<128x64xf32, #tpu.memory_space<hbm>>)
    return
  }
}

module attributes {stable_mosaic.version = 14 : i64} {
  func.func @_mean_body(%arg0: i32, %arg1: memref<8000x64xf32, #tpu.memory_space<vmem>>, %arg2: memref<8000x128xf32, #tpu.memory_space<vmem>>, %arg3: memref<8x128xf32, #tpu.memory_space<vmem>>) attributes {dimension_semantics = [#tpu.dimension_semantics<arbitrary>], iteration_bounds = array<i64: 125>, scalar_prefetch = 0 : i64, scratch_operands = 0 : i64, tpu.core_type = #tpu.core_type<tc>, window_params = [{transform_indices = @transform_0, window_bounds = array<i64: 8000, 64>}, {transform_indices = @transform_1, window_bounds = array<i64: 8000, 128>}, {pipeline_mode = #tpu.pipeline_mode<synchronous>, transform_indices = @transform_2, window_bounds = array<i64: 8, 128>}]} {
    %get3A = arith.constant 0 : index
    %get3A_0 = arith.constant 0 : index
    %get3A_1 = vector.load %arg1[%get3A, %get3A_0] : memref<8000x64xf32, #tpu.memory_space<vmem>>, vector<8000x64xf32>
    %broadcast_in_dim3A = arith.constant 0.000000e+00 : f32
    %broadcast_in_dim3A_2 = vector.broadcast %broadcast_in_dim3A : f32 to vector<8000x64xf32>
    %concatenate3A = tpu.concatenate %get3A_1, %broadcast_in_dim3A_2 in 1 : vector<8000x64xf32>, vector<8000x64xf32> -> vector<8000x128xf32>
    %swap3A = arith.constant 0 : index
    %swap3A_3 = arith.constant 0 : index
    %swap3A_4 = vector.load %arg2[%swap3A, %swap3A_3] : memref<8000x128xf32, #tpu.memory_space<vmem>>, vector<8000x128xf32>
    tpu.vector_store %arg2[%swap3A, %swap3A_3], %concatenate3A {strides = array<i32>} : memref<8000x128xf32, #tpu.memory_space<vmem>>, vector<8000x128xf32>,
    %eq3A = arith.constant 0 : i32
    %eq3A_5 = arith.cmpi eq, %arg0, %eq3A : i32
    %convert_element_type3A = arith.extui %eq3A_5 : i1 to i32
    %cond3A = arith.constant 0 : i32
    %cond3A_6 = arith.cmpi ne, %convert_element_type3A, %cond3A : i32
    scf.if %cond3A_6 {
      %broadcast_in_dim3A_23 = arith.constant 0.000000e+00 : f32
      %broadcast_in_dim3A_24 = vector.broadcast %broadcast_in_dim3A_23 : f32 to vector<8x128xf32>
      %swap3A_25 = arith.constant 0 : index
      %swap3A_26 = arith.constant 0 : index
      %swap3A_27 = vector.load %arg3[%swap3A_25, %swap3A_26] : memref<8x128xf32, #tpu.memory_space<vmem>>, vector<8x128xf32>
      tpu.vector_store %arg3[%swap3A_25, %swap3A_26], %broadcast_in_dim3A_24 {strides = array<i32>} : memref<8x128xf32, #tpu.memory_space<vmem>>, vector<8x128xf32>,
    } else {
    }
    %reduce_sum3A = arith.constant dense<0.000000e+00> : vector<64xf32>
    %reduce_sum3A_7 = vector.multi_reduction <add>, %get3A_1, %reduce_sum3A [0] : vector<8000x64xf32> to vector<64xf32>
    %broadcast_in_dim3A_8 = vector.shape_cast %reduce_sum3A_7 : vector<64xf32> to vector<1x64xf32>
    %get3A_9 = arith.constant 0 : index
    %get3A_10 = arith.constant 0 : index
    %get3A_11 = vector.load %arg3[%get3A_9, %get3A_10] : memref<8x128xf32, #tpu.memory_space<vmem>>, vector<8x128xf32>
    %concatenate3A_12 = tpu.concatenate %broadcast_in_dim3A_8, %broadcast_in_dim3A_8 in 1 : vector<1x64xf32>, vector<1x64xf32> -> vector<1x128xf32>
    %broadcast_in_dim3A_13 = vector.shape_cast %concatenate3A_12 : vector<1x128xf32> to vector<1x128xf32>
    %broadcast_in_dim3A_14 = vector.broadcast %broadcast_in_dim3A_13 : vector<1x128xf32> to vector<8x128xf32>
    %add3A = arith.addf %get3A_11, %broadcast_in_dim3A_14 : vector<8x128xf32>
    %swap3A_15 = arith.constant 0 : index
    %swap3A_16 = arith.constant 0 : index
    %swap3A_17 = vector.load %arg3[%swap3A_15, %swap3A_16] : memref<8x128xf32, #tpu.memory_space<vmem>>, vector<8x128xf32>
    tpu.vector_store %arg3[%swap3A_15, %swap3A_16], %add3A {strides = array<i32>} : memref<8x128xf32, #tpu.memory_space<vmem>>, vector<8x128xf32>,
    %eq3A_18 = arith.constant 124 : i32
    %eq3A_19 = arith.cmpi eq, %arg0, %eq3A_18 : i32
    %convert_element_type3A_20 = arith.extui %eq3A_19 : i1 to i32
    %cond3A_21 = arith.constant 0 : i32
    %cond3A_22 = arith.cmpi ne, %convert_element_type3A_20, %cond3A_21 : i32
    scf.if %cond3A_22 {
      %get3A_23 = arith.constant 0 : index
      %get3A_24 = arith.constant 0 : index
      %get3A_25 = vector.load %arg3[%get3A_23, %get3A_24] : memref<8x128xf32, #tpu.memory_space<vmem>>, vector<8x128xf32>
      %mul3A = arith.constant 9.99999997E-7 : f32
      %mul3A_26 = vector.broadcast %mul3A : f32 to vector<8x128xf32>
      %mul3A_27 = arith.mulf %get3A_25, %mul3A_26 : vector<8x128xf32>
      %swap3A_28 = arith.constant 0 : index
      %swap3A_29 = arith.constant 0 : index
      %swap3A_30 = vector.load %arg3[%swap3A_28, %swap3A_29] : memref<8x128xf32, #tpu.memory_space<vmem>>, vector<8x128xf32>
      tpu.vector_store %arg3[%swap3A_28, %swap3A_29], %mul3A_27 {strides = array<i32>} : memref<8x128xf32, #tpu.memory_space<vmem>>, vector<8x128xf32>,
    } else {
    }
    return
  }
  func.func @transform_0(%arg0: i32) -> (i32, i32) {
    %c0_i32 = arith.constant 0 : i32
    %c0_i32_0 = arith.constant 0 : i32
    return %arg0, %c0_i32 : i32, i32
  }
  func.func @transform_1(%arg0: i32) -> (i32, i32) {
    %c0_i32 = arith.constant 0 : i32
    %c0_i32_0 = arith.constant 0 : i32
    return %arg0, %c0_i32 : i32, i32
  }
  func.func @transform_2(%arg0: i32) -> (i32, i32) {
    %c0_i32 = arith.constant 0 : i32
    %c0_i32_0 = arith.constant 0 : i32
    %c0_i32_1 = arith.constant 0 : i32
    return %c0_i32, %c0_i32_0 : i32, i32
  }
}

</mosaic_0001>

<sc_bundles>
// kernel: kernel.4.cloned.1.call-start
scs
__scs_entry_jumppad:
0x0: {  	(pc) =	sbr.rel $0x88, $3  }
0x1: {  	(tag) =	ssettag $0x0;
	lr =	simm.s32 $0x1  }
0x2: {  	[smem:$0x3F9F] =	sst lr;
	_ =	strace $0xD0000000  }
0x3: {  	_ = 	snop  }
0x4: {  	_ = 	snop  }
0x5: {  	_ = 	snop  }
0x6: {  	_ = 	snop  }
0x7: {  	_ = 	snop  }
__scs_overlays_trampoline_lowered:
0x8: {  	[smem:$0x3FAE] =	sst s0  }
0x9: {  	[smem:$0x3FAF] =	sst s1  }
0xa: {  	[smem:$0x3FB0] =	sst s2  }
0xb: {  	[smem:$0x3FB1] =	sst s3  }
0xc: {  	[smem:$0x3FB2] =	sst s4  }
0xd: {  	[smem:$0x3FB3] =	sst s5  }
0xe: {  	[smem:$0x3FB4] =	sst s6  }
0xf: {  	[smem:$0x3FB5] =	sst s7  }
0x10: {  	[smem:$0x3FB6] =	sst s8  }
0x11: {  	[smem:$0x3FB7] =	sst s9;
	s0 =	simm.s32 @!p0 $0x0  }
0x12: {  	s1 =	sld [smem:$0x3F9D];
	s0 =	simm.s32 @p0 $0x1  }
0x13: {  	[smem:$0x3FB8] =	sst s0;
	s0 =	simm.s32 @!p1 $0x0  }
0x14: {  	s2 =	sld [smem:$0x3F9C];
	s0 =	simm.s32 @p1 $0x1  }
0x15: {  	[smem:$0x3FB9] =	sst s0;
	s0 =	simm.s32 @!p2 $0x0  }
0x16: {  	s3 =	sld [smem:$0x3FDB];
	s0 =	simm.s32 @p2 $0x1  }
0x17: {  	s4 =	simm.s32 $0x1BF5;
	[smem:$0x3FBB] =	sst s0  }
0x18: {  	s0 =	sld [smem:$0x3F9E];
	_ =	swait.ge [sflag:s4], $0x0  }
0x19: {  	s7 =	sld [smem:$0x3F9F]  }
0x1a: {  	s8 =	sadd.s32 $0xFFFFE003, lr  }
0x1b: {  	s9 =	sadd.s32 $0xFFFFFEF7, lr;
	s5 =	simm.s32 $0xFFFFFFFF;
	p2 =	slt.u32 s8, $0xFFFFF086  }
0x1c: {  	p1 =	slt.u32 s9, $0xF7A;
	s5 =	simm.s32 @!p2 $0x0  }
0x1d: {  	s5 =	simm.s32 @p1 $0x1;
	p0 =	seq.s32 s7, s2  }
0x1e: {  	s7 =	smul.u32 @!p0 $0xF7A, s2;
	p2 =	seq.s32 @!p0 s5, $0x0  }
0x1f: {  	s9 =	smul.u32 $0xF7A, s1;
	s8 =	simm.s32 @!p0 $0x1BF5;
	p2 =	por !p2, p0  }
0x20: {  	[sflag:s8] =	ssyncset.s32 @!p0 $0xFFFFF086;
	s6 =	sadd.s32 @!p0 s3, s7;
	s7 =	simm.s32 @!p0 $0x108  }
0x21: {  	s3 =	sadd.s32 s3, s9;
	s6 =	sadd.s32 @!p0 $0x88, s6;
	s7 =	simm.s32 @p2 $0x1082  }
0x22: {  	[simem:s7], [sflag:s8] =	dma.local @!p0 [hbm:s6], $0xF7A  }
0x23: {  	s9 =	sor.u32 $0xD0000000, s2;
	s6 =	simm.s32 $0x108;
	_ =	swait.ge @!p0 [sflag:s8], $0x0  }
0x24: {  	s3 =	sadd.s32 $0x88, s3;
	s6 =	simm.s32 @!p1 $0x1082;
	[sflag:s4] =	ssyncset.s32 $0xFFFFF086  }
0x25: {  	[simem:s6], [sflag:s4] =	dma.local [hbm:s3], $0xF7A  }
0x26: {  	[smem:$0x3F9F] =	sst s1;
	(tag) =	ssettag s2;
	_ =	strace s9  }
0x27: {  	s1 =	sld [smem:$0x3FAF]  }
0x28: {  	s2 =	sld [smem:$0x3FB0]  }
0x29: {  	s4 =	sld [smem:$0x3FB2]  }
0x2a: {  	p0 =	seq.s32 s5, $0x0;
	s5 =	sld [smem:$0x3FB3]  }
0x2b: {  	s6 =	sld [smem:$0x3FB4]  }
0x2c: {  	s7 =	sld [smem:$0x3FB5]  }
0x2d: {  	s3 =	simm.s32 $0x108;
	s8 =	sld [smem:$0x3FB6]  }
0x2e: {  	s3 =	simm.s32 @!p0 $0x1082;
	s9 =	sld [smem:$0x3FB7]  }
0x2f: {  	lr =	sadd.s32 s0, s3;
	s0 =	sld [smem:$0x3FAE]  }
0x30: {  	s3 =	sld [smem:$0x3FB1]  }
0x31: {  	[smem:$0x3FBA] =	sst s10  }
0x32: {  	s10 =	sld [smem:$0x3FB8];
	_ =	sdelay $0x3  }
0x33: {  	p0 =	seq.s32 s10, $0x1;
	s10 =	sld [smem:$0x3FBA];
	_ =	sdelay $0x3  }
0x34: {  	[smem:$0x3FBA] =	sst s10  }
0x35: {  	s10 =	sld [smem:$0x3FB9];
	_ =	sdelay $0x3  }
0x36: {  	p1 =	seq.s32 s10, $0x1;
	s10 =	sld [smem:$0x3FBA];
	_ =	sdelay $0x3  }
0x37: {  	[smem:$0x3FBA] =	sst s10  }
0x38: {  	s10 =	sld [smem:$0x3FBB]  }
0x39: {  	_ = 	snop;
	(pc) =	sbr.ind lr, $3  }
0x3a: {  	_ = 	snop  }
0x3b: {  	_ = 	snop  }
0x3c: {  	p2 =	seq.s32 s10, $0x1;
	s10 =	sld [smem:$0x3FBA]  }
0x3d: {  	_ =	shalt  }
0x3e: {  	_ =	shalt  }
0x3f: {  	_ =	shalt  }
0x40: {  	_ =	shalt  }
0x41: {  	_ =	shalt  }
0x42: {  	_ =	shalt  }
0x43: {  	_ =	shalt  }
0x44: {  	_ =	shalt  }
0x45: {  	_ =	shalt  }
0x46: {  	_ =	shalt  }
0x47: {  	_ =	shalt  }
0x48: {  	_ =	shalt  }
0x49: {  	_ =	shalt  }
0x4a: {  	_ =	shalt  }
0x4b: {  	_ =	shalt  }
0x4c: {  	_ =	shalt  }
0x4d: {  	_ =	shalt  }
0x4e: {  	_ =	shalt  }
0x4f: {  	_ =	shalt  }
0x50: {  	_ =	shalt  }
0x51: {  	_ =	shalt  }
0x52: {  	_ =	shalt  }
0x53: {  	_ =	shalt  }
0x54: {  	_ =	shalt  }
0x55: {  	_ =	shalt  }
0x56: {  	_ =	shalt  }
0x57: {  	_ =	shalt  }
0x58: {  	_ =	shalt  }
0x59: {  	_ =	shalt  }
0x5a: {  	_ =	shalt  }
0x5b: {  	_ =	shalt  }
0x5c: {  	_ =	shalt  }
0x5d: {  	_ =	shalt  }
0x5e: {  	_ =	shalt  }
0x5f: {  	_ =	shalt  }
0x60: {  	_ =	shalt  }
0x61: {  	_ =	shalt  }
0x62: {  	_ =	shalt  }
0x63: {  	_ =	shalt  }
0x64: {  	_ =	shalt  }
0x65: {  	_ =	shalt  }
0x66: {  	_ =	shalt  }
0x67: {  	_ =	shalt  }
0x68: {  	_ =	shalt  }
0x69: {  	_ =	shalt  }
0x6a: {  	_ =	shalt  }
0x6b: {  	_ =	shalt  }
0x6c: {  	_ =	shalt  }
0x6d: {  	_ =	shalt  }
0x6e: {  	_ =	shalt  }
0x6f: {  	_ =	shalt  }
0x70: {  	_ =	shalt  }
0x71: {  	_ =	shalt  }
0x72: {  	_ =	shalt  }
0x73: {  	_ =	shalt  }
0x74: {  	_ =	shalt  }
0x75: {  	_ =	shalt  }
0x76: {  	_ =	shalt  }
0x77: {  	_ =	shalt  }
0x78: {  	_ =	shalt  }
0x79: {  	_ =	shalt  }
0x7a: {  	_ =	shalt  }
0x7b: {  	_ =	shalt  }
0x7c: {  	_ =	shalt  }
0x7d: {  	_ =	shalt  }
0x7e: {  	_ =	shalt  }
0x7f: {  	_ =	shalt  }
0x80: {  	_ =	shalt  }
0x81: {  	_ =	shalt  }
0x82: {  	_ =	shalt  }
0x83: {  	_ =	shalt  }
0x84: {  	_ =	shalt  }
0x85: {  	_ =	shalt  }
0x86: {  	_ =	shalt  }
0x87: {  	_ =	shalt  }
.Lfunc_end0:
.L_simem_size_0:
called_computation.1_lowered:
.L_overlay_start_0:
0x88: {  	s2 =	sld [smem:$0x3FD9]  }
0x89: {  	s3 =	sld [smem:$0x3FFE];
	_ =	sdelay $0x1  }
0x8a: {  	s1 =	srdreg.scid  }
0x8b: {  	s0 =	sand.u32 $0x1, s1  }
0x8c: {  	s17 =	sshll.u32 s0, $0xA;
	s2 =	sadd.s32 s3, s2  }
0x8d: {  	s2 =	sadd.s32 s2, s17  }
0x8e: {  	[smem:$0x3FC6] =	sst s2  }
0x8f: {  	_ = 	snop  }
0x90: {  	s2 =	sld [smem:$0x3FD0];
	(tm) =	ssettm $0x1  }
0x91: {  	s18 =	sld [smem:$0x3FFB];
	_ =	sdelay $0x3  }
0x92: {  	_ =	strace s18  }
0x93: {  	s3 =	sld [smem:$0x3FFC];
	_ =	sdelay $0x3  }
0x94: {  	_ =	strace s3  }
0x95: {  	s3 =	sld [smem:$0x3FFD];
	_ =	sdelay $0x3  }
0x96: {  	_ =	strace s3  }
0x97: {  	_ =	strace $0x8FFFFFFF  }
0x98: {  	s19 =	sld [smem:$0x3FDB];
	_ =	sdelay $0x1  }
0x99: {  	s4 =	simm.s32 $_scs_section_size  }
0x9a: {  	s5 =	simm.s32 $_size__tile_overlayer_lowered;
	s6 =	simm.s32 $_tile_overlayer_lowered  }
0x9b: {  	s22 =	simm.s32 $0x1BFF;
	s21 =	sshll.u32 s6, $0x1;
	s3 =	sadd.s32 s4, s19  }
0x9c: {  	s7 =	simm.s32 $0x0;
	s20 =	sshll.u32 s5, $0x1;
	s5 =	sadd.s32 s21, s3  }
0x9d: {  	[timem:s7], [sflag:s22] =	dma.local [hbm:s5], s20  }
0x9e: {  	_ =	swait.ge [sflag:s22], s20  }
0x9f: {  	s4 =	ssub.s32 $0x0, s20;
	[sflag:s22] =	ssyncset.done $0x0  }
0xa0: {  	[sflag:s22] =	ssyncadd.s32 s4;
	_ =	sdelay $0x1  }
0xa1: {  	s23 =	simm.s32 $0x1B8B  }
0xa2: {  	_ =	swait.ge [sflag:s23], $0x1  }
0xa3: {  	[sflag:s23] =	ssyncset.done $0x0  }
0xa4: {  	s25 =	simm.s32 $0x1B8E;
	s24 =	sld [smem:$0x3FFE];
	[sflag:s23] =	ssyncadd.s32 $0xFFFFFFFF  }
0xa5: {  	s26 =	simm.s32 $execute0_lowered;
	[smem:$0x3FD2] =	sst s25  }
0xa6: {  	s5 =	sshll.u32 s26, $0x1;
	_ =	strace $0x80000046;
	[dreg:$0x1] =	wrdreg $0xFFFFFFFF  }
0xa7: {  	s28 =	simm.s32 $_size_execute0_lowered;
	s3 =	sadd.s32 s3, s5;
	[dreg:$0x0] =	wrdreg $0x0  }
0xa8: {  	s5 =	sshll.u32 s28, $0x1;
	[dreg:$0x2] =	wrdreg s3  }
0xa9: {  	[dreg:$0x3] =	wrdreg s5  }
0xaa: {  	[dreg:$0x4] =	wrdreg $0xC0  }
0xab: {  	_ =	task [dreg:s7], $0x5FFFF  }
0xac: {  	[dreg:$0x1] =	wrdreg $0xFFFFFFFF  }
0xad: {  	[dreg:$0x0] =	wrdreg $0x60  }
0xae: {  	[dreg:$0x2] =	wrdreg s24  }
0xaf: {  	[dreg:$0x3] =	wrdreg s2  }
0xb0: {  	[dreg:$0x4] =	wrdreg $0x9  }
0xb1: {  	_ =	task.clear_ibuf [dreg:s7], $0x5FFFF;
	_ =	strace $0x90000046  }
0xb2: {  	s29 =	simm.s32 $0x9;
	_ =	strace $0x80000048  }
0xb3: {  	_ =	swait.ge [sflag:s29], $0x1  }
0xb4: {  	[sflag:s29] =	ssyncadd.s32 $0xFFFFFFFF  }
0xb5: {  	_ =	strace $0x90000048  }
0xb6: {  	_ =	sfence  }
0xb7: {  	s30 =	sld [smem:$0x0];
	_ =	sdelay $0x2  }
0xb8: {  	s31 =	sshll.u32 s1, $0xD;
	s1 =	sshrl.u32 s1, $0x2  }
0xb9: {  	s3 =	sand.u32 $0x4000, s31;
	s1 =	sadd.s32 s1, s30  }
0xba: {  	s0 =	sor.u32 s3, s0;
	s1 =	sshll.u32 s1, $0x11  }
0xbb: {  	s0 =	sor.u32 s1, s0  }
0xbc: {  	s0 =	sadd.s32 $0x8F2B, s0  }
0xbd: {  	[sflag:s0] =	ssyncadd.remote.s32 $0x1  }
0xbe: {  	_ =	sfence.sel $0xFFFF  }
0xbf: {  	[dreg:$0x0] =	wrdreg $0xFFFFFFFF;
	(pc) =	sbr.abs _section_cstart, $3  }
0xc0: {  	[dreg:$0x1] =	wrdreg $0xFFFFFFFF  }
0xc1: {  	_ =	task.clear_ibuf [dreg:s7], $0x2FFFF;
	_ =	strace $0x9FFFFFFF  }
0xc2: {  	(tm) =	ssettm $0x7FFFFFFF  }
0xc3: {  	_ =	shalt  }
tec
execute0_lowered:
.L_overlay_start_1:
0x0: {  	(tag) =	ssettag $0x1  }
0x1: {  	s0 =	rddreg [dreg:$0x0]  }
0x2: {  	s1 =	srdreg.scid;
	s2 =	stileid.u32;
	s3 =	simm.s32 $0x0  }
0x3: {  	s17 =	simm.s32 $0x4;
	s18 =	simm.s32 $0x1;
	s19 =	simm.s32 $0x80  }
0x4: {  	s21 =	simm.s32 $0x100;
	s23 =	simm.s32 $0x180;
	s24 =	simm.s32 $0xC300  }
0x5: {  	s25 =	simm.s32 $0x200;
	s28 =	simm.s32 $0x2;
	s29 =	simm.s32 $0x3  }
0x6: {  	s30 =	simm.s32 $0x0;
	s1 =	sand.u32 $0x1, s1;
	s2 =	sshll.u32 s2, $0x1  }
0x7: {  	[smem:$0x7FF] =	sst s3;
	s4 =	sadd.s32 $0xC00, s0;
	s2 =	sor.u32 s1, s2  }
0x8: {  	s5 =	sadd.s32 $0x64C00, s0;
	s1 =	ssub.s32 $0x2, s1;
	s7 =	smul.u32 $0x3200, s2  }
0x9: {  	s6 =	sadd.s32 $0xFA7000, s0;
	s26 =	sshrl.u32 s1, $0x1;
	s31 =	smul.u32 $0x320, s2  }
0xa: {  	_ =	strace $0x80000047;
	s14 =	smul.u32 $0xC80000, s2;
	s0 =	ssub.s32 s1, s26  }
0xb: {  	s26 =	simm.s32 $0x280;
	s7 =	sadd.s32 s4, s7;
	s13 =	sor.u32 $0x6, s31  }
0xc: {  	s15 =	smax.u32 s0, $0x1;
	s8 =	sadd.s32 $0x10, s7;
	s9 =	sadd.s32 $0x20, s7  }
0xd: {  	s10 =	sadd.s32 $0x30, s7;
	s11 =	sadd.s32 $0x40, s7;
	s12 =	sadd.s32 $0x50, s7  }
.LBB2_1:
0xe: {  	s0 =	rddreg [dreg:$0x1];
	s1 =	simm.s32 $0x18300  }
0xf: {  	[tilespmem:s1], [sflag:$0x4] =	stream.linear.gather [hbm4b:s0+s3], $0x400, $0x38;
	[tilespmem:$0x18700] =	vst v63  }
0x10: {  	_ =	swait.ge [sflag:s17], $0x400  }
0x11: {  	[sflag:s17] =	ssyncset.done $0x0  }
0x12: {  	[sflag:s17] =	ssyncadd.s32 $0xFFFFFC00  }
0x13: {  	v0 =	vld [tilespmem:$0x18300]  }
0x14: {  	v1 =	vld [tilespmem:$0x18310]  }
0x15: {  	v2 =	vld [tilespmem:$0x18320]  }
0x16: {  	v3 =	vld [tilespmem:$0x18330];
	[tilespmem:s3], [sflag:$0x1] =	stream.linear.gather [hbm4b:s7+s3], $0x80, $0x38  }
0x17: {  	_ =	swait.ge [sflag:s18], $0x80  }
0x18: {  	[sflag:s18] =	ssyncset.done $0x0  }
0x19: {  	s31 =	simm.s32 $0x300;
	[sflag:s18] =	ssyncadd.s32 $0xFFFFFF80  }
0x1a: {  	[tilespmem:s31], [sflag:$0x2] =	stream.indirect.gather [hbm4b:s5+s19], $0x80, s3, s19, $0xb8;
	[tilespmem:$0x18700] =	vst v63  }
0x1b: {  	_ = 	snop  }
0x1c: {  	[tilespmem:s19], [sflag:$0x1] =	stream.linear.gather [hbm4b:s8+s3], $0x80, $0x38;
	[tilespmem:$0x18700] =	vst v63  }
0x1d: {  	_ =	swait.ge [sflag:s18], $0x80  }
0x1e: {  	[sflag:s18] =	ssyncset.done $0x0  }
0x1f: {  	s20 =	simm.s32 $0x4300;
	[sflag:s18] =	ssyncadd.s32 $0xFFFFFF80  }
0x20: {  	[tilespmem:s20], [sflag:$0x2] =	stream.indirect.gather [hbm4b:s5+s19], $0x80, s19, s19, $0xb8;
	[tilespmem:$0x18700] =	vst v63  }
0x21: {  	_ = 	snop  }
0x22: {  	[tilespmem:s21], [sflag:$0x1] =	stream.linear.gather [hbm4b:s9+s3], $0x80, $0x38;
	[tilespmem:$0x18700] =	vst v63  }
0x23: {  	_ =	swait.ge [sflag:s18], $0x80  }
0x24: {  	[sflag:s18] =	ssyncset.done $0x0  }
0x25: {  	s22 =	simm.s32 $0x8300;
	[sflag:s18] =	ssyncadd.s32 $0xFFFFFF80  }
0x26: {  	[tilespmem:s22], [sflag:$0x2] =	stream.indirect.gather [hbm4b:s5+s19], $0x80, s21, s19, $0xb8;
	[tilespmem:$0x18700] =	vst v63  }
0x27: {  	_ = 	snop  }
0x28: {  	[tilespmem:s23], [sflag:$0x1] =	stream.linear.gather [hbm4b:s10+s3], $0x80, $0x38;
	[tilespmem:$0x18700] =	vst v63  }
0x29: {  	_ =	swait.ge [sflag:s18], $0x80  }
0x2a: {  	[sflag:s18] =	ssyncset.done $0x0  }
0x2b: {  	[sflag:s18] =	ssyncadd.s32 $0xFFFFFF80  }
0x2c: {  	[tilespmem:s24], [sflag:$0x2] =	stream.indirect.gather [hbm4b:s5+s19], $0x80, s23, s19, $0xb8;
	[tilespmem:$0x18700] =	vst v63  }
0x2d: {  	_ = 	snop  }
0x2e: {  	[tilespmem:s25], [sflag:$0x1] =	stream.linear.gather [hbm4b:s11+s3], $0x80, $0x38;
	[tilespmem:$0x18700] =	vst v63  }
0x2f: {  	s0 =	simm.s32 $0x0  }
0x30: {  	[tilespmem:s26], [sflag:$0x1] =	stream.linear.gather [hbm4b:s12+s3], $0x80, $0x38;
	[tilespmem:$0x18700] =	vst v63  }
.LBB2_2:
0x31: {  	p0 =	slt.u32 s0, $0x2  }
0x32: {  	s1 =	simm.s32 @!p0 $0x3  }
0x33: {  	p1 =	sgt.u32 @!p0 s0, $0x31B;
	_ =	swait.ge @!p0 [sflag:s1], $0x2000  }
0x34: {  	p1 =	por p0, !p1;
	[sflag:s1] =	ssyncset.done @!p0 $0x0  }
0x35: {  	[sflag:s1] =	ssyncadd.s32 @!p0 $0xFFFFE000;
	s1 =	sadd.s32 @p1 $0x4, s0  }
0x36: {  	s2 =	sand.u32 @p1 $0xFFFF, s1  }
0x37: {  	s2 =	smul.u32 @p1 $0xAAAB, s2;
	_ =	sdelay $0x1  }
0x38: {  	s2 =	sshrl.u32 @p1 s2, $0x12  }
0x39: {  	s2 =	smul.u32 @p1 $0x6, s2;
	_ =	sdelay $0x1  }
0x3a: {  	s1 =	ssub.s32 @p1 s1, s2  }
0x3b: {  	_ =	swait.ge @p1 [sflag:s18], $0x80;
	s1 =	sand.u32 @p1 $0xFFFF, s1  }
0x3c: {  	s20 =	smulhi.u32 $0xAAAAAAAB, s0;
	[sflag:s18] =	ssyncset.done @p1 $0x0;
	s2 =	sshll.u32 @p1 s1, $0xE  }
0x3d: {  	[sflag:s18] =	ssyncadd.s32 @p1 $0xFFFFFF80;
	s1 =	sshll.u32 @p1 s1, $0x7;
	s2 =	sor.u32 @p1 $0x300, s2  }
0x3e: {  	[tilespmem:s2], [sflag:$0x2] =	stream.indirect.gather @p1 [hbm4b:s5+s19], $0x80, s1, s19, $0xb8;
	[tilespmem:$0x18700] =	vst v63  }
0x3f: {  	s22 =	smul.u32 $0xAAAB, s0;
	s1 =	sshrl.u32 s20, $0x2  }
0x40: {  	s1 =	smul.u32 $0xFFFA0000, s1  }
0x41: {  	s2 =	sshrl.u32 s22, $0x12  }
0x42: {  	p0 =	sgt.u32 s0, $0x319;
	s16 =	smul.u32 $0x6, s2;
	s1 =	sshra.s32 s1, $0x2  }
0x43: {  	s20 =	simm.s32 @!p0 $0x0;
	s2 =	sadd.s32 s1, s31;
	s1 =	sadd.s32 @!p0 s0, s13  }
0x44: {  	_ =	swait.ge [sflag:s28], $0x4000;
	s16 =	ssub.s32 s0, s16;
	s1 =	sshll.u32 @!p0 s1, $0x4  }
0x45: {  	[sflag:s28] =	ssyncset.done $0x0;
	s16 =	sand.u32 $0xFFFF, s16;
	s1 =	sand.u32 @!p0 $0x1FFFFFF0, s1  }
0x46: {  	[sflag:s28] =	ssyncadd.s32 $0xFFFFC000;
	s16 =	sshll.u32 @!p0 s16, $0x7;
	s1 =	sadd.s32 @!p0 s4, s1  }
0x47: {  	[tilespmem:s16], [sflag:$0x1] =	stream.linear.gather @!p0 [hbm4b:s1+s20], $0x80, $0x38;
	[tilespmem:$0x18700] =	vst v63  }
0x48: {  	v5 =	vld [tilespmem:s2+$0x120]  }
0x49: {  	v6 =	vld [tilespmem:s2+$0x80]  }
0x4a: {  	v7 =	vld [tilespmem:s2+$0x1A0]  }
0x4b: {  	v8 =	vld [tilespmem:s2+$0x190]  }
0x4c: {  	v9 =	vld [tilespmem:s2+$0x20]  }
0x4d: {  	v4 =	vld [tilespmem:s2+$0x110]  }
0x4e: {  	v11 =	vld [tilespmem:s2+$0x10]  }
0x4f: {  	v12 =	vld [tilespmem:s2+$0x180]  }
0x50: {  	v13 =	vld [tilespmem:s2+$0x0];
	v8 =	vsub.f32 v8, v1  }
0x51: {  	v14 =	vld [tilespmem:s2+$0x130];
	v5 =	vsub.f32 v5, v2  }
0x52: {  	v15 =	vld [tilespmem:s2+$0x90];
	v6 =	vsub.f32 v6, v0;
	[tilespmem:s2+$0x190] =	vst v8  }
0x53: {  	v10 =	vld [tilespmem:s2+$0x1B0];
	v8 =	vsub.f32 v7, v2;
	[tilespmem:s2+$0x120] =	vst v5  }
0x54: {  	v16 =	vsub.f32 v9, v2;
	v7 =	vld [tilespmem:s2+$0x100];
	[tilespmem:s2+$0x80] =	vst v6  }
0x55: {  	v6 =	vsub.f32 v12, v0;
	[tilespmem:s2+$0x1A0] =	vst v8;
	v8 =	vld [tilespmem:s2+$0xB0]  }
0x56: {  	v9 =	vld [tilespmem:s2+$0xA0];
	v12 =	vsub.f32 v13, v0;
	v5 =	vsub.f32 v11, v1;
	[tilespmem:s2+$0x20] =	vst v16  }
0x57: {  	s16 =	simm.s32 $0x0;
	s20 =	sadd.s32 $0x200, s2;
	s1 =	smov.u32 s2;
	v11 =	vld [tilespmem:s2+$0x30];
	v13 =	vsub.f32 v15, v1;
	[tilespmem:s2+$0x180] =	vst v6;
	v6 =	vsub.f32 v14, v3  }
.LBB2_3:
0x58: {  	v14 =	vld [tilespmem:s20+$0x120];
	s16 =	sadd.s32 $0x4, s16;
	[tilespmem:s1+$0x0] =	vst v12;
	v4 =	vsub.f32 v4, v1;
	v10 =	vsub.f32 v10, v3  }
0x59: {  	v12 =	vld [tilespmem:s20+$0x80];
	p0 =	slt.u32 s16, $0x7C;
	[tilespmem:s1+$0x90] =	vst v13;
	v7 =	vsub.f32 v7, v0  }
0x5a: {  	v13 =	vld [tilespmem:s20+$0x1A0];
	v8 =	vsub.f32 v8, v3;
	[tilespmem:s1+$0x1B0] =	vst v10  }
0x5b: {  	v15 =	vld [tilespmem:s20+$0x20];
	v9 =	vsub.f32 v9, v2;
	[tilespmem:s1+$0x100] =	vst v7  }
0x5c: {  	v7 =	vld [tilespmem:s20+$0x190];
	v10 =	vsub.f32 v11, v3;
	[tilespmem:s1+$0x110] =	vst v4  }
0x5d: {  	v4 =	vld [tilespmem:s20+$0x110];
	v11 =	vsub.f32 v14, v2;
	[tilespmem:s1+$0x10] =	vst v5  }
0x5e: {  	v5 =	vld [tilespmem:s20+$0x10];
	[tilespmem:s1+$0x30] =	vst v10  }
0x5f: {  	v14 =	vld [tilespmem:s20+$0x180];
	v13 =	vsub.f32 v13, v2;
	[tilespmem:s1+$0x130] =	vst v6  }
0x60: {  	v6 =	vld [tilespmem:s20+$0x0];
	[tilespmem:s1+$0xB0] =	vst v8  }
0x61: {  	v16 =	vld [tilespmem:s20+$0x130];
	v7 =	vsub.f32 v7, v1;
	[tilespmem:s1+$0xA0] =	vst v9;
	s1 =	smov.u32 s20  }
0x62: {  	v17 =	vld [tilespmem:s20+$0x90];
	[tilespmem:s20+$0x120] =	vst v11  }
.Ltmp0:
0x63: {  	v8 =	vsub.f32 v12, v0;
	[tilespmem:s20+$0x190] =	vst v7;
	v10 =	vld [tilespmem:s20+$0x1B0];
	(pc) =	sbr.rel @p0 .LBB2_3-.Ltmp0, $4  }
0x64: {  	v7 =	vld [tilespmem:s20+$0x100];
	v11 =	vsub.f32 v14, v0;
	[tilespmem:s20+$0x1A0] =	vst v13  }
0x65: {  	v13 =	vsub.f32 v15, v2;
	[tilespmem:s20+$0x80] =	vst v8;
	v8 =	vld [tilespmem:s20+$0xB0]  }
0x66: {  	v5 =	vsub.f32 v5, v1;
	v12 =	vsub.f32 v6, v0;
	v9 =	vld [tilespmem:s20+$0xA0];
	[tilespmem:s20+$0x180] =	vst v11  }
0x67: {  	v6 =	vsub.f32 v16, v3;
	s20 =	sadd.s32 $0x200, s20;
	[tilespmem:s1+$0x20] =	vst v13;
	v11 =	vld [tilespmem:s1+$0x30];
	v13 =	vsub.f32 v17, v1  }
0x68: {  	[tilespmem:s1+$0x0] =	vst v12  }
0x69: {  	[tilespmem:s1+$0x10] =	vst v5  }
0x6a: {  	v10 =	vsub.f32 v10, v3;
	[tilespmem:s1+$0x90] =	vst v13  }
0x6b: {  	v4 =	vsub.f32 v4, v1;
	[tilespmem:s1+$0x130] =	vst v6  }
0x6c: {  	v7 =	vsub.f32 v7, v0;
	[tilespmem:s1+$0x1B0] =	vst v10  }
0x6d: {  	s16 =	sshll.u32 s0, $0xE;
	[tilespmem:s1+$0x110] =	vst v4;
	v4 =	vsub.f32 v8, v3  }
0x6e: {  	s16 =	sadd.s32 s14, s16;
	[tilespmem:s1+$0x100] =	vst v7;
	v5 =	vsub.f32 v9, v2  }
0x6f: {  	s16 =	sshrl.u32 s16, $0x3;
	v63 =	vsub.f32 v11, v3;
	[tilespmem:s1+$0xB0] =	vst v4  }
0x70: {  	s16 =	sadd.s32 s6, s16;
	[tilespmem:s1+$0xA0] =	vst v5  }
0x71: {  	s20 =	sadd.s32 $0x80, s2;
	s22 =	sadd.s32 $0x0, s16;
	[tilespmem:s1+$0x30] =	vst v63;
	s1 =	simm.s32 $0x10  }
.LBB2_5:
0x72: {  	[hbm4b:s22+s3] =	stream.linear.scatter [tilespmem:s2], [sflag:$0x3], $0x40, $0x38;
	[tilespmem:$0x18700] =	vst v63  }
0x73: {  	s22 =	smov.u32 s1;
	s2 =	smov.u32 s20;
	p0 =	sne.s32 s1, $0x7F0  }
.Ltmp1:
0x74: {  	s1 =	sadd.s32 $0x10, s1;
	(pc) =	sbr.rel @p0 .LBB2_5-.Ltmp1, $2  }
0x75: {  	_ =	sdelay $0x2  }
0x76: {  	s20 =	sadd.s32 $0x80, s20;
	s22 =	sadd.s32 s22, s16  }
0x77: {  	s0 =	sadd.s32 $0x1, s0  }
0x78: {  	p0 =	sne.s32 s0, $0x320  }
.Ltmp2:
0x79: {  	_ = 	snop;
	(pc) =	sbr.rel @p0 .LBB2_2-.Ltmp2, $3  }
0x7a: {  	_ =	sdelay $0x1  }
0x7b: {  	[hbm4b:s22+s3] =	stream.linear.scatter [tilespmem:s2], [sflag:$0x3], $0x40, $0x38;
	[tilespmem:$0x18700] =	vst v63  }
0x7c: {  	s31 =	sadd.s32 $0x4000, s31  }
0x7d: {  	s30 =	sadd.s32 $0x1, s30  }
0x7e: {  	_ =	swait.ge [sflag:s29], $0x2000;
	p0 =	sne.s32 s30, s15  }
.Ltmp3:
0x7f: {  	[sflag:s29] =	ssyncset.done $0x0;
	(pc) =	sbr.rel @p0 .LBB2_1-.Ltmp3, $4  }
0x80: {  	[sflag:s29] =	ssyncadd.s32 $0xFFFFE000  }
0x81: {  	_ =	swait.ge [sflag:s29], $0x2000  }
0x82: {  	[sflag:s29] =	ssyncset.done $0x0  }
0x83: {  	[sflag:s29] =	ssyncadd.s32 $0xFFFFE000  }
0x84: {  	_ =	sfence.sel $0x180000  }
0x85: {  	[bflag:$0x0] =	sbarrier.arrive $0xFFFF  }
0x86: {  	_ =	strace $0x90000047  }
0x87: {  	s0 =	stileid.u32;
	[bflag:$0x2] =	sbarrier.arrive $0xFFFF  }
0x88: {  	p0 =	sne.s32 s0, $0x0;
	s0 =	rddreg [dreg:$0x2]  }
0x89: {  	s0 =	sadd.s32 @!p0 $0x100000, s0  }
0x8a: {  	[sflag:s0] =	ssyncadd.tile.s32 @!p0 $0x1;
	_ =	shalt  }
.Lfunc_end2:
_tile_overlayer_lowered:
.L_overlay_start_2:
0x8b: {  	(tag) =	ssettag $0x2  }
0x8c: {  	s0 =	rddreg [dreg:$0x0];
	s2 =	stileid.u32  }
0x8d: {  	s1 =	rddreg [dreg:$0x1];
	p0 =	sne.s32 s2, $0x0  }
0x8e: {  	s3 =	rddreg [dreg:$0x2];
	[bflag:$0x3] =	sbarrier.arrive $0xFFFF;
	s2 =	simm.s32 @!p0 $0x1C04  }
0x8f: {  	[timem:s3], [sflag:s2] =	dma.local @!p0 [hbm:s0], s1  }
0x90: {  	s0 =	simm.s32 @!p0 $0x4  }
0x91: {  	_ =	swait.ge @!p0 [sflag:s0], s1  }
0x92: {  	s1 =	ssub.s32 @!p0 $0x0, s1;
	[sflag:s0] =	ssyncset.done @!p0 $0x0  }
0x93: {  	[sflag:s0] =	ssyncadd.s32 @!p0 s1  }
0x94: {  	[bflag:$0x3] =	sbarrier.arrive $0xFFFF  }
0x95: {  	_ =	shalt  }

// kernel: sparse-core-data-format-call.cloned.1.call-start
scs
called_computation_lowered:
.L_overlay_start_0:
0x0: {  	s2 =	sld [smem:$0x3FD9]  }
0x1: {  	s3 =	sld [smem:$0x3FFE];
	_ =	sdelay $0x1  }
0x2: {  	s1 =	srdreg.scid  }
0x3: {  	s0 =	sand.u32 $0x1, s1  }
0x4: {  	s18 =	sshll.u32 s0, $0xA;
	s2 =	sadd.s32 s3, s2  }
0x5: {  	s2 =	sadd.s32 s2, s18  }
0x6: {  	[smem:$0x3FC6] =	sst s2  }
0x7: {  	_ = 	snop  }
0x8: {  	s2 =	sld [smem:$0x3FD0];
	(tm) =	ssettm $0x1  }
0x9: {  	s19 =	sld [smem:$0x3FFB];
	_ =	sdelay $0x3  }
0xa: {  	_ =	strace s19  }
0xb: {  	s3 =	sld [smem:$0x3FFC];
	_ =	sdelay $0x3  }
0xc: {  	_ =	strace s3  }
0xd: {  	s3 =	sld [smem:$0x3FFD];
	_ =	sdelay $0x3  }
0xe: {  	_ =	strace s3  }
0xf: {  	_ =	strace $0x8FFFFFFF  }
0x10: {  	s20 =	sld [smem:$0x3FDB];
	_ =	sdelay $0x1  }
0x11: {  	s4 =	simm.s32 $_scs_section_size  }
0x12: {  	s5 =	simm.s32 $_size__tile_overlayer_lowered;
	s6 =	simm.s32 $_tile_overlayer_lowered  }
0x13: {  	s23 =	simm.s32 $0x1BFF;
	s22 =	sshll.u32 s6, $0x1;
	s3 =	sadd.s32 s4, s20  }
0x14: {  	s7 =	simm.s32 $0x0;
	s21 =	sshll.u32 s5, $0x1;
	s5 =	sadd.s32 s22, s3  }
0x15: {  	[timem:s7], [sflag:s23] =	dma.local [hbm:s5], s21  }
0x16: {  	_ =	swait.ge [sflag:s23], s21  }
0x17: {  	s4 =	ssub.s32 $0x0, s21;
	[sflag:s23] =	ssyncset.done $0x0  }
0x18: {  	[sflag:s23] =	ssyncadd.s32 s4;
	_ =	sdelay $0x1  }
0x19: {  	s24 =	simm.s32 $0x1B8B  }
0x1a: {  	_ =	swait.ge [sflag:s24], $0x1  }
0x1b: {  	[sflag:s24] =	ssyncset.done $0x0  }
0x1c: {  	s26 =	simm.s32 $0x1B8E;
	s25 =	sld [smem:$0x3FFE];
	[sflag:s24] =	ssyncadd.s32 $0xFFFFFFFF  }
0x1d: {  	s27 =	simm.s32 $execute0_lowered;
	[smem:$0x3FD2] =	sst s26  }
0x1e: {  	s5 =	sshll.u32 s27, $0x1;
	_ =	strace $0x80000049;
	[dreg:$0x1] =	wrdreg $0xFFFFFFFF  }
0x1f: {  	s28 =	simm.s32 $_size_execute0_lowered;
	s3 =	sadd.s32 s3, s5;
	[dreg:$0x0] =	wrdreg $0x0  }
0x20: {  	s5 =	sshll.u32 s28, $0x1;
	[dreg:$0x2] =	wrdreg s3  }
0x21: {  	[dreg:$0x3] =	wrdreg s5  }
0x22: {  	[dreg:$0x4] =	wrdreg $0xC0  }
0x23: {  	_ =	task [dreg:s7], $0x5FFFF  }
0x24: {  	[dreg:$0x1] =	wrdreg $0xFFFFFFFF  }
0x25: {  	[dreg:$0x0] =	wrdreg $0x60  }
0x26: {  	[dreg:$0x2] =	wrdreg s25  }
0x27: {  	[dreg:$0x3] =	wrdreg s2  }
0x28: {  	[dreg:$0x4] =	wrdreg $0x9  }
0x29: {  	_ =	task.clear_ibuf [dreg:s7], $0x5FFFF;
	_ =	strace $0x90000049  }
0x2a: {  	s29 =	simm.s32 $0x9;
	_ =	strace $0x8000004B  }
0x2b: {  	_ =	swait.ge [sflag:s29], $0x1  }
0x2c: {  	[sflag:s29] =	ssyncadd.s32 $0xFFFFFFFF  }
0x2d: {  	_ =	strace $0x9000004B  }
0x2e: {  	_ =	sfence  }
0x2f: {  	s30 =	sld [smem:$0x0];
	_ =	sdelay $0x2  }
0x30: {  	s31 =	sshll.u32 s1, $0xD;
	s1 =	sshrl.u32 s1, $0x2  }
0x31: {  	s3 =	sand.u32 $0x4000, s31;
	s1 =	sadd.s32 s1, s30  }
0x32: {  	s0 =	sor.u32 s3, s0;
	s1 =	sshll.u32 s1, $0x11  }
0x33: {  	s0 =	sor.u32 s1, s0  }
0x34: {  	s0 =	sadd.s32 $0x8F2B, s0  }
0x35: {  	[sflag:s0] =	ssyncadd.remote.s32 $0x1  }
0x36: {  	_ =	sfence.sel $0xFFFF  }
0x37: {  	[dreg:$0x0] =	wrdreg $0xFFFFFFFF;
	(pc) =	sbr.abs _section_cstart, $3  }
0x38: {  	[dreg:$0x1] =	wrdreg $0xFFFFFFFF  }
0x39: {  	_ =	task.clear_ibuf [dreg:s7], $0x2FFFF;
	_ =	strace $0x9FFFFFFF  }
0x3a: {  	(tm) =	ssettm $0x7FFFFFFF  }
0x3b: {  	_ =	shalt  }
tec
execute0_lowered:
.L_overlay_start_1:
0x0: {  	(tag) =	ssettag $0x1  }
0x1: {  	s0 =	srdreg.scid  }
0x2: {  	s1 =	sshll.u32 s0, $0x4  }
0x3: {  	s0 =	stileid.u32;
	s1 =	sand.u32 $0x10, s1  }
0x4: {  	s1 =	sor.u32 s0, s1  }
0x5: {  	s6 =	rddreg [dreg:$0x0];
	s4 =	simm.s32 $0x1;
	s2 =	sshll.u32 s1, $0x7  }
0x6: {  	s7 =	simm.s32 $0x2;
	s12 =	simm.s32 $0x0;
	s1 =	ssub.s32 $0x4000, s2  }
0x7: {  	s8 =	simm.s32 $0x20000;
	s13 =	simm.s32 $0x0;
	s3 =	sand.u32 $0xF80, s1  }
0x8: {  	s9 =	simm.s32 $0x0;
	s5 =	sshrl.u32 s1, $0xC;
	p0 =	sne.s32 s3, $0x0  }
.Ltmp0:
0x9: {  	s1 =	rddreg [dreg:$0x2];
	s4 =	simm.s32 @!p0 $0x0;
	(pc) =	sbr.rel .LBB1_1-.Ltmp0, $4  }
0xa: {  	s11 =	simm.s32 $0x0;
	s3 =	rddreg [dreg:$0x1];
	s5 =	sadd.s32 s4, s5  }
0xb: {  	_ =	strace $0x8000004A;
	s4 =	simm.s32 $0x1;
	s5 =	smul.u32 $0xC8, s5  }
0xc: {  	s6 =	sadd.s32 $0xFA7000, s6;
	s10 =	smov.u32 s2;
	[sflag:s4] =	ssyncpa.u1 $0x0  }
0xd: {  	p0 =	por $0x0, $0x0;
	[sflag:s7] =	ssyncpa.u1 $0x0;
	s7 =	sor.u32 $0x1, s5  }
.LBB1_4:
0xe: {  	s16 =	sshll.u32 s13, $0x3;
	s17 =	sand.u32 $0x78, s13  }
0xf: {  	s30 =	sand.u32 $0x1F800, s13;
	s12 =	sshll.u32 s12, $0x11;
	s16 =	sand.u32 $0x3C00, s16  }
0x10: {  	[tilespmem:s15+$0x810 ss:$0x81] =	vst.msk $0xffff, v2;
	s31 =	sand.u32 $0x7, s13;
	s16 =	sor.u32 s17, s16;
	s17 =	sadd.s32 s3, s30  }
0x11: {  	[tilespmem:s15+$0x1020 ss:$0x81] =	vst.msk $0xffff, v0;
	s13 =	sshll.u32 s31, $0x12;
	s12 =	sadd.s32 s12, s17;
	s16 =	sshrl.u32 s16, $0x3  }
0x12: {  	[tilespmem:s15+$0x0 ss:$0x81] =	vst.msk $0xffff, v1;
	s13 =	sor.u32 $0x400, s13;
	s12 =	sadd.s32 s16, s12  }
0x13: {  	[hbm4b:s12+s13] =	stream.strided.scatter [tilespmem:s14], [sflag:$0x2], $0x2000, s8, s13, $0x20;
	[tilespmem:$0x8080] =	vst v63  }
.LBB1_5:
0x14: {  	s14 =	sadd.s32 $0x1, s9  }
0x15: {  	s12 =	sadd.s32 $0x1000, s10;
	s16 =	smov.u32 s10;
	p2 =	sgt.s32 s14, $0xC7  }
0x16: {  	s16 =	smov.u32 @p2 s12  }
0x17: {  	s14 =	simm.s32 @p2 $0x0;
	p2 =	sgt.s32 s16, $0x3FFF  }
0x18: {  	s16 =	smov.u32 @p2 s2;
	p2 =	sne.s32 s11, s7  }
.Ltmp1:
0x19: {  	p1 =	slt.u32 s11, $0x2;
	(pc) =	sbr.rel @!p2 .LBB1_6-.Ltmp1, $4  }
0x1a: {  	s15 =	simm.s32 @!p1 $0x2  }
0x1b: {  	s13 =	smov.u32 s10;
	p0 =	por !p0, !p0;
	_ =	swait.ge @!p1 [sflag:s15], $0x2000  }
0x1c: {  	s12 =	smov.u32 s9;
	[sflag:s15] =	ssyncset.done @!p1 $0x0;
	s9 =	smov.u32 s14  }
0x1d: {  	s11 =	sadd.s32 $0x1, s11;
	[sflag:s15] =	ssyncadd.s32 @!p1 $0xFFFFE000;
	s10 =	smov.u32 s16  }
.LBB1_1:
0x1e: {  	p1 =	sge.u32 s11, s5  }
0x1f: {  	s14 =	sand.u32 @!p1 $0x1FFFFFF, s9  }
0x20: {  	s15 =	smulhi.u32 @!p1 $0x147AE15, s14;
	_ =	sdelay $0x1  }
0x21: {  	s15 =	smul.u32 @!p1 $0xC8, s15  }
0x22: {  	s16 =	sxor.u32 @!p1 $0xFFFFFFFF, s11;
	s17 =	smul.u32 @!p1 $0xC80, s10  }
0x23: {  	s31 =	sadd.s32 $0xFFFFFFFF, s11;
	s16 =	sshll.u32 @!p1 s16, $0xD;
	s14 =	ssub.s32 @!p1 s14, s15  }
0x24: {  	s15 =	sand.u32 @!p1 $0x2000, s16;
	s16 =	sadd.s32 @!p1 s6, s17;
	s14 =	sshll.u32 @!p1 s14, $0x4  }
0x25: {  	s17 =	simm.s32 @!p1 $0x6400;
	s14 =	sadd.s32 @!p1 s14, s16;
	s16 =	simm.s32 @!p1 $0x40  }
0x26: {  	[tilespmem:s15], [sflag:$0x1] =	stream.strided.gather @!p1 [hbm4b:s14+s16], $0x2000, s17, s16, $0x38;
	[tilespmem:$0x8080] =	vst v63  }
0x27: {  	p1 =	sge.u32 s31, s5  }
.Ltmp2:
0x28: {  	_ = 	snop;
	(pc) =	sbr.rel @p1 .LBB1_5-.Ltmp2, $1  }
0x29: {  	_ =	sdelay $0x3  }
0x2a: {  	s14 =	simm.s32 $0x1  }
0x2b: {  	_ =	swait.ge [sflag:s4], $0x2000;
	s14 =	simm.s32 @!p0 $0x0  }
0x2c: {  	[sflag:s4] =	ssyncset.done $0x0;
	s15 =	sshll.u32 s14, $0xD  }
0x2d: {  	[sflag:s4] =	ssyncadd.s32 $0xFFFFE000;
	s18 =	sor.u32 $0x20, s15  }
0x2e: {  	s14 =	smul.u32 $0x8100, s14;
	v3 =	vld [tilespmem:s18+$0x10]  }
0x2f: {  	s30 =	sand.u32 $0x1, s11;
	v2 =	vld [tilespmem:s18+$0xFFFFFFF0]  }
0x30: {  	s15 =	smul.u32 $0x8100, s30;
	s14 =	sshrl.u32 s14, $0x2;
	v0 =	vld [tilespmem:s18+$0x0]  }
0x31: {  	v1 =	vld [tilespmem:s18+$0xFFFFFFE0];
	s16 =	sor.u32 $0x4000, s14  }
0x32: {  	s31 =	sshrl.u32 s15, $0x2;
	s15 =	sadd.s32 $0x0, s16  }
0x33: {  	s17 =	simm.s32 $0x4;
	s18 =	sadd.s32 $0x40, s18;
	s14 =	sor.u32 $0x4000, s31;
	[tilespmem:s15+$0x1830 ss:$0x81] =	vst.msk $0xffff, v3  }
.LBB1_3:
0x34: {  	v3 =	vld [tilespmem:s18+$0x10];
	p1 =	sne.s32 s17, $0x1FC;
	[tilespmem:s15+$0x810 ss:$0x81] =	vst.msk $0xffff, v2;
	s19 =	smov.u32 s17;
	s17 =	sadd.s32 $0x4, s17  }
.Ltmp3:
0x35: {  	v2 =	vld [tilespmem:s18+$0xFFFFFFF0];
	[tilespmem:s15+$0x1020 ss:$0x81] =	vst.msk $0xffff, v0;
	(pc) =	sbr.rel @p1 .LBB1_3-.Ltmp3, $4  }
0x36: {  	v0 =	vld [tilespmem:s18+$0x0];
	[tilespmem:s15+$0x0 ss:$0x81] =	vst.msk $0xffff, v1  }
0x37: {  	s15 =	sshra.s32 s19, $0x2;
	v1 =	vld [tilespmem:s18+$0xFFFFFFE0]  }
0x38: {  	s15 =	sadd.s32 s15, s16  }
0x39: {  	s18 =	sadd.s32 $0x40, s18;
	[tilespmem:s15+$0x1830 ss:$0x81] =	vst.msk $0xffff, v3  }
.Ltmp4:
0x3a: {  	_ = 	snop;
	(pc) =	sbr.rel .LBB1_4-.Ltmp4, $1  }
0x3b: {  	_ =	sdelay $0x3  }
.LBB1_6:
0x3c: {  	_ =	sfence.sel $0x180000  }
0x3d: {  	s2 =	simm.s32 $0x1;
	[bflag:$0x0] =	sbarrier.arrive $0xFFFF  }
0x3e: {  	s31 =	simm.s32 $0x2;
	[sflag:s2] =	ssyncpa.u1 $0x1  }
0x3f: {  	[sflag:s31] =	ssyncpa.u1 $0x1  }
0x40: {  	p0 =	sne.s32 s0, $0x0;
	_ =	strace $0x9000004A  }
0x41: {  	s0 =	sadd.s32 @!p0 $0x100000, s1;
	[bflag:$0x2] =	sbarrier.arrive $0xFFFF  }
0x42: {  	[sflag:s0] =	ssyncadd.tile.s32 @!p0 $0x1;
	_ =	shalt  }
.Lfunc_end1:
_tile_overlayer_lowered:
.L_overlay_start_2:
0x43: {  	(tag) =	ssettag $0x2  }
0x44: {  	s0 =	rddreg [dreg:$0x0];
	s2 =	stileid.u32  }
0x45: {  	s1 =	rddreg [dreg:$0x1];
	p0 =	sne.s32 s2, $0x0  }
0x46: {  	s3 =	rddreg [dreg:$0x2];
	[bflag:$0x3] =	sbarrier.arrive $0xFFFF;
	s2 =	simm.s32 @!p0 $0x1C01  }
0x47: {  	[timem:s3], [sflag:s2] =	dma.local @!p0 [hbm:s0], s1  }
0x48: {  	s0 =	simm.s32 @!p0 $0x1  }
0x49: {  	_ =	swait.ge @!p0 [sflag:s0], s1  }
0x4a: {  	s1 =	ssub.s32 @!p0 $0x0, s1;
	[sflag:s0] =	ssyncset.done @!p0 $0x0  }
0x4b: {  	[sflag:s0] =	ssyncadd.s32 @!p0 s1  }
0x4c: {  	[bflag:$0x3] =	sbarrier.arrive $0xFFFF  }
0x4d: {  	_ =	shalt  }

</sc_bundles>
